<compile_context>
chip_gen: v7x
topology: tpu7x:2x2x1
jax: 0.10.2.dev20260603
libtpu: 0.0.44.dev20260713+nightly
codegen_flags: <defaults>
</compile_context>

<pallas_src>
import functools

import jax
import jax.numpy as jnp
from jax import lax
from jax.experimental import pallas as pl
from jax.experimental.pallas import tpu as pltpu
from jax.experimental.pallas import tpu_sc as plsc

VOCAB = 100000
D_EMB = 128
N_PROMPT = 20
BATCH = 4
SEQ_LEN = 2048

_ROWS = BATCH * SEQ_LEN
_R0 = 224
_R1 = 288
_CHUNKS0 = (128, 96)
_CHUNKS1 = (128, 128, 32)
_IDXWIN = 384
_NSEM = 3


def _make_kernel():
    mesh = plsc.VectorSubcoreMesh(core_axis_name="c", subcore_axis_name="s")

    @functools.partial(
        pl.kernel,
        mesh=mesh,
        out_type=jax.ShapeDtypeStruct((_ROWS, D_EMB), jnp.float32),
        scratch_types=[
            pltpu.VMEM((_IDXWIN,), jnp.int32),
            pltpu.VMEM((_R1, D_EMB), jnp.float32),
            pltpu.VMEM((24, D_EMB), jnp.float32),
            pltpu.SemaphoreType.DMA,
        ]
        + [pltpu.SemaphoreType.DMA] * _NSEM,
    )
    def k(x_hbm, table_hbm, prompt_hbm, out_hbm, idx_v, rows_v, prompt_v,
          psem, *sems):
        c = lax.axis_index("c")
        s = lax.axis_index("s")
        b = s // 4
        kk = s % 4
        p0 = jnp.where(c == 0, _R0 * kk, 896 + _R1 * kk)
        p0 = pl.multiple_of(p0, 8)
        base = pl.multiple_of(b * SEQ_LEN + p0, 8)
        is_head = jnp.logical_and(c == 0, kk == 0)
        prompt_cp = pltpu.async_copy(
            prompt_hbm.at[0], prompt_v.at[pl.ds(0, N_PROMPT)], psem
        )
        w0 = pl.multiple_of((p0 // 128) * 128, 128)
        off = pl.multiple_of(p0 - w0, 8)
        pltpu.sync_copy(x_hbm.at[b, pl.ds(w0, 256)], idx_v.at[pl.ds(0, 256)])

        def run(chunks):
            gathers = []
            cum = 0
            for j, sz in enumerate(chunks):
                gathers.append(
                    pltpu.async_copy(
                        table_hbm.at[
                            idx_v.at[pl.ds(pl.multiple_of(off + cum, 8), sz)]
                        ],
                        rows_v.at[pl.ds(cum, sz)],
                        sems[j],
                    )
                )
                cum += sz
                if j == 0:
                    pltpu.sync_copy(
                        x_hbm.at[b, pl.ds(pl.multiple_of(w0 + 256, 128), 128)],
                        idx_v.at[pl.ds(256, 128)],
                    )
            writes = []
            cum = 0
            for j, sz in enumerate(chunks):
                gathers[j].wait()
                writes.append(
                    pltpu.async_copy(
                        rows_v.at[pl.ds(cum, sz)],
                        out_hbm.at[pl.ds(pl.multiple_of(base + cum, 8), sz)],
                        sems[j],
                    )
                )
                cum += sz
            return writes

        @pl.when(c == 0)
        def _():
            writes = run(_CHUNKS0)
            @pl.when(is_head)
            def _():
                for r in range(N_PROMPT, 24):
                    for c0 in range(0, D_EMB, 16):
                        prompt_v[r, pl.ds(c0, 16)] = rows_v[r, pl.ds(c0, 16)]

            writes[0].wait()

            @pl.when(is_head)
            def _():
                prompt_cp.wait()
                pltpu.async_copy(
                    prompt_v, out_hbm.at[pl.ds(base, 24)], psem
                ).wait()

            @pl.when(jnp.logical_not(is_head))
            def _():
                prompt_cp.wait()

            for w in writes[1:]:
                w.wait()

        @pl.when(c == 1)
        def _():
            writes = run(_CHUNKS1)
            prompt_cp.wait()
            for w in writes:
                w.wait()

    return k


_kernel_call = _make_kernel()


def kernel(x, table, prompt):
    out = _kernel_call(x, table, prompt)
    return out.reshape(BATCH, SEQ_LEN, D_EMB)

# --- scband reference (transcript-rebuilt; emitter-appended) ---
"""Pipeline reference for scband-soft-prompt-embedding-layer-13477607375127 (READ-ONLY COPY).

The authoritative reference and input builder live on the scoring server;
editing this copy changes nothing except your own understanding.
"""

import jax, jax.numpy as jnp
import numpy as np

VOCAB = 100000
D_EMB = 128
N_PROMPT = 20
BATCH = 4
SEQ_LEN = 2048

def setup_inputs(seed: int = 0) -> dict:
    key = jax.random.key(seed)
    k1, k2, k3 = jax.random.split(key, 3)
    x = jax.random.randint(k1, (BATCH, SEQ_LEN), 0, VOCAB, dtype=jnp.int64 if jax.config.jax_enable_x64 else jnp.int32).astype(jnp.int32)
    table = jax.random.normal(k2, (VOCAB, D_EMB), dtype=jnp.float32) * 0.02
    prompt = jax.random.normal(k3, (1, N_PROMPT, D_EMB), dtype=jnp.float32) * 0.02
    return {"x": x, "table": table, "prompt": prompt}

def reference(x, table, prompt):
    # Original: input_embs = model_embs(x[:, n_prompt:])
    n_prompt = prompt.shape[1]
    ids = x[:, n_prompt:]
    input_embs = jnp.take(table, ids, axis=0)  # embedding gather
    b = input_embs.shape[0]
    # repeat(trainable_embs, 'b k d -> (repeat b) k d', repeat=b) with b=1 -> broadcast to (B, k, d)
    prompt_rep = jnp.broadcast_to(prompt, (b * prompt.shape[0], prompt.shape[1], prompt.shape[2]))
    return jnp.concatenate([prompt_rep, input_embs], axis=1)

if __name__ == "__main__":
    import jax
    _d = setup_inputs()
    print(jax.jit(kernel)(*tuple(_d.values())))

</pallas_src>

<mosaic_0001>
#map = affine_map<(d0, d1) -> (0, 0)>
#map1 = affine_map<(d0, d1) -> (0, 0, 0)>
module attributes {stable_mosaic.version = 14 : i64} {
  func.func @k(%arg0: i32, %arg1: i32, %arg2: memref<4x2048xi32, #tpu.memory_space<hbm>>, %arg3: memref<100000x128xf32, #tpu.memory_space<hbm>>, %arg4: memref<1x20x128xf32, #tpu.memory_space<hbm>>, %arg5: memref<8192x128xf32, #tpu.memory_space<hbm>>, %arg6: memref<384xi32, #tpu.memory_space<vmem>>, %arg7: memref<288x128xf32, #tpu.memory_space<vmem>>, %arg8: memref<24x128xf32, #tpu.memory_space<vmem>>, %arg9: memref<!tpu.dma_semaphore, #tpu.memory_space<semaphore_mem>>, %arg10: memref<!tpu.dma_semaphore, #tpu.memory_space<semaphore_mem>>, %arg11: memref<!tpu.dma_semaphore, #tpu.memory_space<semaphore_mem>>, %arg12: memref<!tpu.dma_semaphore, #tpu.memory_space<semaphore_mem>>) attributes {dimension_semantics = [#tpu.dimension_semantics<core_parallel>, #tpu.dimension_semantics<subcore_parallel>], iteration_bounds = array<i64: 2, 16>, scalar_prefetch = 0 : i64, scratch_operands = 7 : i64, tpu.core_type = #tpu.core_type<sc_vector_subcore>, window_params = [{transform_indices = #map}, {transform_indices = #map}, {transform_indices = #map1}, {transform_indices = #map}]} {
    %jit3A = arith.constant 4 : i32
    %div3A = arith.divsi %arg1, %jit3A : i32
    %sign3A = arith.constant 0 : i32
    %sign3A_0 = arith.cmpi sgt, %arg1, %sign3A : i32
    %sign3A_1 = arith.extui %sign3A_0 : i1 to i32
    %sign3A_2 = arith.constant 0 : i32
    %sign3A_3 = arith.cmpi slt, %arg1, %sign3A_2 : i32
    %sign3A_4 = arith.extui %sign3A_3 : i1 to i32
    %sign3A_5 = arith.subi %sign3A_1, %sign3A_4 : i32
    %sign3A_6 = arith.constant 0 : i32
    %sign3A_7 = arith.cmpi sgt, %jit3A, %sign3A_6 : i32
    %sign3A_8 = arith.extui %sign3A_7 : i1 to i32
    %sign3A_9 = arith.constant 0 : i32
    %sign3A_10 = arith.cmpi slt, %jit3A, %sign3A_9 : i32
    %sign3A_11 = arith.extui %sign3A_10 : i1 to i32
    %sign3A_12 = arith.subi %sign3A_8, %sign3A_11 : i32
    %ne3A = arith.cmpi ne, %sign3A_5, %sign3A_12 : i32
    %rem3A = arith.remsi %arg1, %jit3A : i32
    %ne3A_13 = arith.constant 0 : i32
    %ne3A_14 = arith.cmpi ne, %rem3A, %ne3A_13 : i32
    %and3A = arith.andi %ne3A, %ne3A_14 : i1
    %sub3A = arith.constant 1 : i32
    %sub3A_15 = arith.subi %div3A, %sub3A : i32
    %select_n3A = arith.select %and3A, %sub3A_15, %div3A : i32
    %jit3A_16 = arith.constant 4 : i32
    %eq3A = arith.constant 0 : i32
    %eq3A_17 = arith.cmpi eq, %jit3A_16, %eq3A : i32
    %jit3A_18 = arith.constant 1 : i32
    %select_n3A_19 = arith.select %eq3A_17, %jit3A_18, %jit3A_16 : i32
    %rem3A_20 = arith.remsi %arg1, %select_n3A_19 : i32
    %ne3A_21 = arith.constant 0 : i32
    %ne3A_22 = arith.cmpi ne, %rem3A_20, %ne3A_21 : i32
    %lt3A = arith.constant 0 : i32
    %lt3A_23 = arith.cmpi slt, %rem3A_20, %lt3A : i32
    %lt3A_24 = arith.constant 0 : i32
    %lt3A_25 = arith.cmpi slt, %select_n3A_19, %lt3A_24 : i32
    %ne3A_26 = arith.xori %lt3A_23, %lt3A_25 : i1
    %and3A_27 = arith.andi %ne3A_26, %ne3A_22 : i1
    %add3A = arith.addi %rem3A_20, %select_n3A_19 : i32
    %select_n3A_28 = arith.select %and3A_27, %add3A, %rem3A_20 : i32
    %eq3A_29 = arith.constant 0 : i32
    %eq3A_30 = arith.cmpi eq, %arg0, %eq3A_29 : i32
    %mul3A = arith.constant 224 : i32
    %mul3A_31 = arith.muli %mul3A, %select_n3A_28 : i32
    %mul3A_32 = arith.constant 288 : i32
    %mul3A_33 = arith.muli %mul3A_32, %select_n3A_28 : i32
    %add3A_34 = arith.constant 896 : i32
    %add3A_35 = arith.addi %add3A_34, %mul3A_33 : i32
    %select_n3A_36 = arith.select %eq3A_30, %mul3A_31, %add3A_35 : i32
    %multiple_of3A = tpu.assume_multiple %select_n3A_36, 8 : i32
    %mul3A_37 = arith.constant 2048 : i32
    %mul3A_38 = arith.muli %select_n3A, %mul3A_37 : i32
    %add3A_39 = arith.addi %mul3A_38, %multiple_of3A : i32
    %multiple_of3A_40 = tpu.assume_multiple %add3A_39, 8 : i32
    %eq3A_41 = arith.constant 0 : i32
    %eq3A_42 = arith.cmpi eq, %arg0, %eq3A_41 : i32
    %eq3A_43 = arith.constant 0 : i32
    %eq3A_44 = arith.cmpi eq, %select_n3A_28, %eq3A_43 : i32
    %and3A_45 = arith.andi %eq3A_42, %eq3A_44 : i1
    %dma_start3A = arith.constant 0 : i32
    %dma_start3A_46 = arith.constant 0 : i32
    %dma_start3A_47 = arith.constant 0 : i32
    %dma_start3A_48 = tpu.memref_slice %arg8[%dma_start3A_46, %dma_start3A_47] : memref<24x128xf32, #tpu.memory_space<vmem>> -> memref<20x128xf32, #tpu.memory_space<vmem>>
    %dma_start3A_49 = arith.constant 0 : i32
    %dma_start3A_50 = arith.constant 0 : i32
    %dma_start3A_51 = tpu.memref_slice %arg4[%dma_start3A, %dma_start3A_49, %dma_start3A_50] : memref<1x20x128xf32, #tpu.memory_space<hbm>> -> memref<1x20x128xf32, #tpu.memory_space<hbm>>
    %dma_start3A_52 = tpu.memref_squeeze %dma_start3A_51 : memref<1x20x128xf32, #tpu.memory_space<hbm>> -> memref<20x128xf32, #tpu.memory_space<hbm>>
    %dma_start3A_53 = arith.constant 0 : i32
    %dma_start3A_54 = arith.constant 0 : i32
    %dma_start3A_55 = tpu.memref_slice %arg8[%dma_start3A_53, %dma_start3A_54] : memref<24x128xf32, #tpu.memory_space<vmem>> -> memref<20x128xf32, #tpu.memory_space<vmem>>
    %dma_start3A_56 = arith.constant 0 : i32
    %dma_start3A_57 = arith.constant 0 : i32
    %dma_start3A_58 = tpu.memref_slice %arg4[%dma_start3A, %dma_start3A_56, %dma_start3A_57] : memref<1x20x128xf32, #tpu.memory_space<hbm>> -> memref<1x20x128xf32, #tpu.memory_space<hbm>>
    %dma_start3A_59 = tpu.memref_squeeze %dma_start3A_58 : memref<1x20x128xf32, #tpu.memory_space<hbm>> -> memref<20x128xf32, #tpu.memory_space<hbm>>
    tpu.enqueue_dma source(%dma_start3A_59 : memref<20x128xf32, #tpu.memory_space<hbm>>) target(%dma_start3A_55 : memref<20x128xf32, #tpu.memory_space<vmem>>) target_semaphore(%arg9 : memref<!tpu.dma_semaphore, #tpu.memory_space<semaphore_mem>>)
    %jit3A_60 = arith.constant 128 : i32
    %div3A_61 = arith.divsi %multiple_of3A, %jit3A_60 : i32
    %sign3A_62 = arith.constant 0 : i32
    %sign3A_63 = arith.cmpi sgt, %multiple_of3A, %sign3A_62 : i32
    %sign3A_64 = arith.extui %sign3A_63 : i1 to i32
    %sign3A_65 = arith.constant 0 : i32
    %sign3A_66 = arith.cmpi slt, %multiple_of3A, %sign3A_65 : i32
    %sign3A_67 = arith.extui %sign3A_66 : i1 to i32
    %sign3A_68 = arith.subi %sign3A_64, %sign3A_67 : i32
    %sign3A_69 = arith.constant 0 : i32
    %sign3A_70 = arith.cmpi sgt, %jit3A_60, %sign3A_69 : i32
    %sign3A_71 = arith.extui %sign3A_70 : i1 to i32
    %sign3A_72 = arith.constant 0 : i32
    %sign3A_73 = arith.cmpi slt, %jit3A_60, %sign3A_72 : i32
    %sign3A_74 = arith.extui %sign3A_73 : i1 to i32
    %sign3A_75 = arith.subi %sign3A_71, %sign3A_74 : i32
    %ne3A_76 = arith.cmpi ne, %sign3A_68, %sign3A_75 : i32
    %rem3A_77 = arith.remsi %multiple_of3A, %jit3A_60 : i32
    %ne3A_78 = arith.constant 0 : i32
    %ne3A_79 = arith.cmpi ne, %rem3A_77, %ne3A_78 : i32
    %and3A_80 = arith.andi %ne3A_76, %ne3A_79 : i1
    %sub3A_81 = arith.constant 1 : i32
    %sub3A_82 = arith.subi %div3A_61, %sub3A_81 : i32
    %select_n3A_83 = arith.select %and3A_80, %sub3A_82, %div3A_61 : i32
    %mul3A_84 = arith.constant 128 : i32
    %mul3A_85 = arith.muli %select_n3A_83, %mul3A_84 : i32
    %multiple_of3A_86 = tpu.assume_multiple %mul3A_85, 128 : i32
    %sub3A_87 = arith.subi %multiple_of3A, %multiple_of3A_86 : i32
    %multiple_of3A_88 = tpu.assume_multiple %sub3A_87, 8 : i32
    "tpu.region"() ({
      %run_scoped3A = tpu.sem_alloc : memref<!tpu.dma_semaphore, #tpu.memory_space<semaphore_mem>>
      %dma_start3A_99 = arith.constant 0 : i32
      %dma_start3A_100 = tpu.memref_slice %arg6[%dma_start3A_99] : memref<384xi32, #tpu.memory_space<vmem>> -> memref<256xi32, #tpu.memory_space<vmem>>
      %dma_start3A_101 = tpu.memref_slice %arg2[%select_n3A, %multiple_of3A_86] : memref<4x2048xi32, #tpu.memory_space<hbm>> -> memref<1x256xi32, #tpu.memory_space<hbm>>
      %dma_start3A_102 = tpu.memref_squeeze %dma_start3A_101 : memref<1x256xi32, #tpu.memory_space<hbm>> -> memref<256xi32, #tpu.memory_space<hbm>>
      %dma_start3A_103 = arith.constant 0 : i32
      %dma_start3A_104 = tpu.memref_slice %arg6[%dma_start3A_103] : memref<384xi32, #tpu.memory_space<vmem>> -> memref<256xi32, #tpu.memory_space<vmem>>
      %dma_start3A_105 = tpu.memref_slice %arg2[%select_n3A, %multiple_of3A_86] : memref<4x2048xi32, #tpu.memory_space<hbm>> -> memref<1x256xi32, #tpu.memory_space<hbm>>
      %dma_start3A_106 = tpu.memref_squeeze %dma_start3A_105 : memref<1x256xi32, #tpu.memory_space<hbm>> -> memref<256xi32, #tpu.memory_space<hbm>>
      tpu.enqueue_dma source(%dma_start3A_106 : memref<256xi32, #tpu.memory_space<hbm>>) target(%dma_start3A_104 : memref<256xi32, #tpu.memory_space<vmem>>) target_semaphore(%run_scoped3A : memref<!tpu.dma_semaphore, #tpu.memory_space<semaphore_mem>>)
      %dma_wait3A = arith.constant 0 : i32
      %dma_wait3A_107 = tpu.memref_slice %arg6[%dma_wait3A] : memref<384xi32, #tpu.memory_space<vmem>> -> memref<256xi32, #tpu.memory_space<vmem>>
      %dma_wait3A_108 = tpu.memref_slice %arg2[%select_n3A, %multiple_of3A_86] : memref<4x2048xi32, #tpu.memory_space<hbm>> -> memref<1x256xi32, #tpu.memory_space<hbm>>
      %dma_wait3A_109 = tpu.memref_squeeze %dma_wait3A_108 : memref<1x256xi32, #tpu.memory_space<hbm>> -> memref<256xi32, #tpu.memory_space<hbm>>
      %dma_wait3A_110 = arith.constant 0 : i32
      %dma_wait3A_111 = tpu.memref_slice %arg6[%dma_wait3A_110] : memref<384xi32, #tpu.memory_space<vmem>> -> memref<256xi32, #tpu.memory_space<vmem>>
      %dma_wait3A_112 = tpu.memref_slice %arg2[%select_n3A, %multiple_of3A_86] : memref<4x2048xi32, #tpu.memory_space<hbm>> -> memref<1x256xi32, #tpu.memory_space<hbm>>
      %dma_wait3A_113 = tpu.memref_squeeze %dma_wait3A_112 : memref<1x256xi32, #tpu.memory_space<hbm>> -> memref<256xi32, #tpu.memory_space<hbm>>
      tpu.wait_dma2 semaphore(%run_scoped3A : memref<!tpu.dma_semaphore, #tpu.memory_space<semaphore_mem>>) src(%dma_wait3A_113 : memref<256xi32, #tpu.memory_space<hbm>>) dst(%dma_wait3A_111 : memref<256xi32, #tpu.memory_space<vmem>>)
      tpu.yield
    }) : () -> ()
    %eq3A_89 = arith.constant 0 : i32
    %eq3A_90 = arith.cmpi eq, %arg0, %eq3A_89 : i32
    %convert_element_type3A = arith.extui %eq3A_90 : i1 to i32
    %cond3A = arith.constant 0 : i32
    %cond3A_91 = arith.constant 0 : i32
    %cond3A_92 = arith.cmpi ne, %convert_element_type3A, %cond3A_91 : i32
    scf.if %cond3A_92 {
      %add3A_99 = arith.constant 0 : i32
      %add3A_100 = arith.addi %multiple_of3A_88, %add3A_99 : i32
      %multiple_of3A_101 = tpu.assume_multiple %add3A_100, 8 : i32
      %dma_start3A_102 = arith.constant 0 : i32
      %dma_start3A_103 = arith.constant 0 : i32
      %dma_start3A_104 = tpu.memref_slice %arg7[%dma_start3A_102, %dma_start3A_103] : memref<288x128xf32, #tpu.memory_space<vmem>> -> memref<128x128xf32, #tpu.memory_space<vmem>>
      %dma_start3A_105 = tpu.memref_slice %arg6[%multiple_of3A_101] : memref<384xi32, #tpu.memory_space<vmem>> -> memref<128xi32, #tpu.memory_space<vmem>>
      %dma_start3A_106 = arith.constant 0 : i32
      %dma_start3A_107 = arith.constant 0 : i32
      %dma_start3A_108 = tpu.memref_slice %arg3[%dma_start3A_106, %dma_start3A_107] : memref<100000x128xf32, #tpu.memory_space<hbm>> -> memref<100000x128xf32, #tpu.memory_space<hbm>>
      tpu.enqueue_indirect_dma source(%dma_start3A_108 : memref<100000x128xf32, #tpu.memory_space<hbm>>) target(%dma_start3A_104 : memref<128x128xf32, #tpu.memory_space<vmem>>) offsets(%dma_start3A_105 : memref<128xi32, #tpu.memory_space<vmem>>) semaphore(%arg10 : memref<!tpu.dma_semaphore, #tpu.memory_space<semaphore_mem>>)
      %add3A_109 = arith.constant 256 : i32
      %add3A_110 = arith.addi %multiple_of3A_86, %add3A_109 : i32
      %multiple_of3A_111 = tpu.assume_multiple %add3A_110, 128 : i32
      "tpu.region"() ({
        %run_scoped3A = tpu.sem_alloc : memref<!tpu.dma_semaphore, #tpu.memory_space<semaphore_mem>>
        %dma_start3A_191 = arith.constant 256 : i32
        %dma_start3A_192 = tpu.memref_slice %arg6[%dma_start3A_191] : memref<384xi32, #tpu.memory_space<vmem>> -> memref<128xi32, #tpu.memory_space<vmem>>
        %dma_start3A_193 = tpu.memref_slice %arg2[%select_n3A, %multiple_of3A_111] : memref<4x2048xi32, #tpu.memory_space<hbm>> -> memref<1x128xi32, #tpu.memory_space<hbm>>
        %dma_start3A_194 = tpu.memref_squeeze %dma_start3A_193 : memref<1x128xi32, #tpu.memory_space<hbm>> -> memref<128xi32, #tpu.memory_space<hbm>>
        %dma_start3A_195 = arith.constant 256 : i32
        %dma_start3A_196 = tpu.memref_slice %arg6[%dma_start3A_195] : memref<384xi32, #tpu.memory_space<vmem>> -> memref<128xi32, #tpu.memory_space<vmem>>
        %dma_start3A_197 = tpu.memref_slice %arg2[%select_n3A, %multiple_of3A_111] : memref<4x2048xi32, #tpu.memory_space<hbm>> -> memref<1x128xi32, #tpu.memory_space<hbm>>
        %dma_start3A_198 = tpu.memref_squeeze %dma_start3A_197 : memref<1x128xi32, #tpu.memory_space<hbm>> -> memref<128xi32, #tpu.memory_space<hbm>>
        tpu.enqueue_dma source(%dma_start3A_198 : memref<128xi32, #tpu.memory_space<hbm>>) target(%dma_start3A_196 : memref<128xi32, #tpu.memory_space<vmem>>) target_semaphore(%run_scoped3A : memref<!tpu.dma_semaphore, #tpu.memory_space<semaphore_mem>>)
        %dma_wait3A_199 = arith.constant 256 : i32
        %dma_wait3A_200 = tpu.memref_slice %arg6[%dma_wait3A_199] : memref<384xi32, #tpu.memory_space<vmem>> -> memref<128xi32, #tpu.memory_space<vmem>>
        %dma_wait3A_201 = tpu.memref_slice %arg2[%select_n3A, %multiple_of3A_111] : memref<4x2048xi32, #tpu.memory_space<hbm>> -> memref<1x128xi32, #tpu.memory_space<hbm>>
        %dma_wait3A_202 = tpu.memref_squeeze %dma_wait3A_201 : memref<1x128xi32, #tpu.memory_space<hbm>> -> memref<128xi32, #tpu.memory_space<hbm>>
        %dma_wait3A_203 = arith.constant 256 : i32
        %dma_wait3A_204 = tpu.memref_slice %arg6[%dma_wait3A_203] : memref<384xi32, #tpu.memory_space<vmem>> -> memref<128xi32, #tpu.memory_space<vmem>>
        %dma_wait3A_205 = tpu.memref_slice %arg2[%select_n3A, %multiple_of3A_111] : memref<4x2048xi32, #tpu.memory_space<hbm>> -> memref<1x128xi32, #tpu.memory_space<hbm>>
        %dma_wait3A_206 = tpu.memref_squeeze %dma_wait3A_205 : memref<1x128xi32, #tpu.memory_space<hbm>> -> memref<128xi32, #tpu.memory_space<hbm>>
        tpu.wait_dma2 semaphore(%run_scoped3A : memref<!tpu.dma_semaphore, #tpu.memory_space<semaphore_mem>>) src(%dma_wait3A_206 : memref<128xi32, #tpu.memory_space<hbm>>) dst(%dma_wait3A_204 : memref<128xi32, #tpu.memory_space<vmem>>)
        tpu.yield
      }) : () -> ()
      %add3A_112 = arith.constant 128 : i32
      %add3A_113 = arith.addi %multiple_of3A_88, %add3A_112 : i32
      %multiple_of3A_114 = tpu.assume_multiple %add3A_113, 8 : i32
      %dma_start3A_115 = arith.constant 128 : i32
      %dma_start3A_116 = arith.constant 0 : i32
      %dma_start3A_117 = tpu.memref_slice %arg7[%dma_start3A_115, %dma_start3A_116] : memref<288x128xf32, #tpu.memory_space<vmem>> -> memref<96x128xf32, #tpu.memory_space<vmem>>
      %dma_start3A_118 = tpu.memref_slice %arg6[%multiple_of3A_114] : memref<384xi32, #tpu.memory_space<vmem>> -> memref<96xi32, #tpu.memory_space<vmem>>
      %dma_start3A_119 = arith.constant 0 : i32
      %dma_start3A_120 = arith.constant 0 : i32
      %dma_start3A_121 = tpu.memref_slice %arg3[%dma_start3A_119, %dma_start3A_120] : memref<100000x128xf32, #tpu.memory_space<hbm>> -> memref<100000x128xf32, #tpu.memory_space<hbm>>
      tpu.enqueue_indirect_dma source(%dma_start3A_121 : memref<100000x128xf32, #tpu.memory_space<hbm>>) target(%dma_start3A_117 : memref<96x128xf32, #tpu.memory_space<vmem>>) offsets(%dma_start3A_118 : memref<96xi32, #tpu.memory_space<vmem>>) semaphore(%arg11 : memref<!tpu.dma_semaphore, #tpu.memory_space<semaphore_mem>>)
      %dma_wait3A = arith.constant 0 : i32
      %dma_wait3A_122 = arith.constant 0 : i32
      %dma_wait3A_123 = tpu.memref_slice %arg7[%dma_wait3A, %dma_wait3A_122] : memref<288x128xf32, #tpu.memory_space<vmem>> -> memref<128x128xf32, #tpu.memory_space<vmem>>
      %dma_wait3A_124 = tpu.memref_slice %arg6[%multiple_of3A_101] : memref<384xi32, #tpu.memory_space<vmem>> -> memref<128xi32, #tpu.memory_space<vmem>>
      %dma_wait3A_125 = arith.constant 0 : i32
      %dma_wait3A_126 = arith.constant 0 : i32
      %dma_wait3A_127 = tpu.memref_slice %arg3[%dma_wait3A_125, %dma_wait3A_126] : memref<100000x128xf32, #tpu.memory_space<hbm>> -> memref<100000x128xf32, #tpu.memory_space<hbm>>
      tpu.wait_indirect_dma semaphore(%arg10 : memref<!tpu.dma_semaphore, #tpu.memory_space<semaphore_mem>>) src(%dma_wait3A_127 : memref<100000x128xf32, #tpu.memory_space<hbm>>) dst(%dma_wait3A_123 : memref<128x128xf32, #tpu.memory_space<vmem>>)
      %add3A_128 = arith.constant 0 : i32
      %add3A_129 = arith.addi %multiple_of3A_40, %add3A_128 : i32
      %multiple_of3A_130 = tpu.assume_multiple %add3A_129, 8 : i32
      %dma_start3A_131 = arith.constant 0 : i32
      %dma_start3A_132 = arith.constant 0 : i32
      %dma_start3A_133 = tpu.memref_slice %arg7[%dma_start3A_131, %dma_start3A_132] : memref<288x128xf32, #tpu.memory_space<vmem>> -> memref<128x128xf32, #tpu.memory_space<vmem>>
      %dma_start3A_134 = arith.constant 0 : i32
      %dma_start3A_135 = tpu.memref_slice %arg5[%multiple_of3A_130, %dma_start3A_134] : memref<8192x128xf32, #tpu.memory_space<hbm>> -> memref<128x128xf32, #tpu.memory_space<hbm>>
      %dma_start3A_136 = arith.constant 0 : i32
      %dma_start3A_137 = tpu.memref_slice %arg5[%multiple_of3A_130, %dma_start3A_136] : memref<8192x128xf32, #tpu.memory_space<hbm>> -> memref<128x128xf32, #tpu.memory_space<hbm>>
      %dma_start3A_138 = arith.constant 0 : i32
      %dma_start3A_139 = arith.constant 0 : i32
      %dma_start3A_140 = tpu.memref_slice %arg7[%dma_start3A_138, %dma_start3A_139] : memref<288x128xf32, #tpu.memory_space<vmem>> -> memref<128x128xf32, #tpu.memory_space<vmem>>
      tpu.enqueue_dma source(%dma_start3A_140 : memref<128x128xf32, #tpu.memory_space<vmem>>) target(%dma_start3A_137 : memref<128x128xf32, #tpu.memory_space<hbm>>) target_semaphore(%arg10 : memref<!tpu.dma_semaphore, #tpu.memory_space<semaphore_mem>>)
      %dma_wait3A_141 = arith.constant 128 : i32
      %dma_wait3A_142 = arith.constant 0 : i32
      %dma_wait3A_143 = tpu.memref_slice %arg7[%dma_wait3A_141, %dma_wait3A_142] : memref<288x128xf32, #tpu.memory_space<vmem>> -> memref<96x128xf32, #tpu.memory_space<vmem>>
      %dma_wait3A_144 = tpu.memref_slice %arg6[%multiple_of3A_114] : memref<384xi32, #tpu.memory_space<vmem>> -> memref<96xi32, #tpu.memory_space<vmem>>
      %dma_wait3A_145 = arith.constant 0 : i32
      %dma_wait3A_146 = arith.constant 0 : i32
      %dma_wait3A_147 = tpu.memref_slice %arg3[%dma_wait3A_145, %dma_wait3A_146] : memref<100000x128xf32, #tpu.memory_space<hbm>> -> memref<100000x128xf32, #tpu.memory_space<hbm>>
      tpu.wait_indirect_dma semaphore(%arg11 : memref<!tpu.dma_semaphore, #tpu.memory_space<semaphore_mem>>) src(%dma_wait3A_147 : memref<100000x128xf32, #tpu.memory_space<hbm>>) dst(%dma_wait3A_143 : memref<96x128xf32, #tpu.memory_space<vmem>>)
      %add3A_148 = arith.constant 128 : i32
      %add3A_149 = arith.addi %multiple_of3A_40, %add3A_148 : i32
      %multiple_of3A_150 = tpu.assume_multiple %add3A_149, 8 : i32
      %dma_start3A_151 = arith.constant 128 : i32
      %dma_start3A_152 = arith.constant 0 : i32
      %dma_start3A_153 = tpu.memref_slice %arg7[%dma_start3A_151, %dma_start3A_152] : memref<288x128xf32, #tpu.memory_space<vmem>> -> memref<96x128xf32, #tpu.memory_space<vmem>>
      %dma_start3A_154 = arith.constant 0 : i32
      %dma_start3A_155 = tpu.memref_slice %arg5[%multiple_of3A_150, %dma_start3A_154] : memref<8192x128xf32, #tpu.memory_space<hbm>> -> memref<96x128xf32, #tpu.memory_space<hbm>>
      %dma_start3A_156 = arith.constant 0 : i32
      %dma_start3A_157 = tpu.memref_slice %arg5[%multiple_of3A_150, %dma_start3A_156] : memref<8192x128xf32, #tpu.memory_space<hbm>> -> memref<96x128xf32, #tpu.memory_space<hbm>>
      %dma_start3A_158 = arith.constant 128 : i32
      %dma_start3A_159 = arith.constant 0 : i32
      %dma_start3A_160 = tpu.memref_slice %arg7[%dma_start3A_158, %dma_start3A_159] : memref<288x128xf32, #tpu.memory_space<vmem>> -> memref<96x128xf32, #tpu.memory_space<vmem>>
      tpu.enqueue_dma source(%dma_start3A_160 : memref<96x128xf32, #tpu.memory_space<vmem>>) target(%dma_start3A_157 : memref<96x128xf32, #tpu.memory_space<hbm>>) target_semaphore(%arg11 : memref<!tpu.dma_semaphore, #tpu.memory_space<semaphore_mem>>)
      %convert_element_type3A_161 = arith.extui %and3A_45 : i1 to i32
      %cond3A_162 = arith.constant 0 : i32
      %cond3A_163 = arith.cmpi ne, %convert_element_type3A_161, %cond3A_162 : i32
      scf.if %cond3A_163 {
        %get3A = arith.constant 20 : i32
        %get3A_191 = arith.index_cast %get3A : i32 to index
        %get3A_192 = arith.constant 0 : index
        %get3A_193 = tpu.vector_load %arg7[%get3A_191, %get3A_192] {strides = array<i32>} : memref<288x128xf32, #tpu.memory_space<vmem>>, vector<1x16xf32>,
        %get3A_194 = vector.shape_cast %get3A_193 : vector<1x16xf32> to vector<16xf32>
        %swap3A = arith.constant 20 : i32
        %swap3A_195 = arith.index_cast %swap3A : i32 to index
        %swap3A_196 = arith.constant 0 : index
        %swap3A_197 = tpu.vector_load %arg8[%swap3A_195, %swap3A_196] {strides = array<i32>} : memref<24x128xf32, #tpu.memory_space<vmem>>, vector<1x16xf32>,
        %swap3A_198 = vector.shape_cast %swap3A_197 : vector<1x16xf32> to vector<16xf32>
        %swap3A_199 = vector.shape_cast %get3A_194 : vector<16xf32> to vector<1x16xf32>
        tpu.vector_store %arg8[%swap3A_195, %swap3A_196], %swap3A_199 {strides = array<i32>} : memref<24x128xf32, #tpu.memory_space<vmem>>, vector<1x16xf32>,
        %get3A_200 = arith.constant 20 : i32
        %get3A_201 = arith.index_cast %get3A_200 : i32 to index
        %get3A_202 = arith.constant 16 : index
        %get3A_203 = tpu.vector_load %arg7[%get3A_201, %get3A_202] {strides = array<i32>} : memref<288x128xf32, #tpu.memory_space<vmem>>, vector<1x16xf32>,
        %get3A_204 = vector.shape_cast %get3A_203 : vector<1x16xf32> to vector<16xf32>
        %swap3A_205 = arith.constant 20 : i32
        %swap3A_206 = arith.index_cast %swap3A_205 : i32 to index
        %swap3A_207 = arith.constant 16 : index
        %swap3A_208 = tpu.vector_load %arg8[%swap3A_206, %swap3A_207] {strides = array<i32>} : memref<24x128xf32, #tpu.memory_space<vmem>>, vector<1x16xf32>,
        %swap3A_209 = vector.shape_cast %swap3A_208 : vector<1x16xf32> to vector<16xf32>
        %swap3A_210 = vector.shape_cast %get3A_204 : vector<16xf32> to vector<1x16xf32>
        tpu.vector_store %arg8[%swap3A_206, %swap3A_207], %swap3A_210 {strides = array<i32>} : memref<24x128xf32, #tpu.memory_space<vmem>>, vector<1x16xf32>,
        %get3A_211 = arith.constant 20 : i32
        %get3A_212 = arith.index_cast %get3A_211 : i32 to index
        %get3A_213 = arith.constant 32 : index
        %get3A_214 = tpu.vector_load %arg7[%get3A_212, %get3A_213] {strides = array<i32>} : memref<288x128xf32, #tpu.memory_space<vmem>>, vector<1x16xf32>,
        %get3A_215 = vector.shape_cast %get3A_214 : vector<1x16xf32> to vector<16xf32>
        %swap3A_216 = arith.constant 20 : i32
        %swap3A_217 = arith.index_cast %swap3A_216 : i32 to index
        %swap3A_218 = arith.constant 32 : index
        %swap3A_219 = tpu.vector_load %arg8[%swap3A_217, %swap3A_218] {strides = array<i32>} : memref<24x128xf32, #tpu.memory_space<vmem>>, vector<1x16xf32>,
        %swap3A_220 = vector.shape_cast %swap3A_219 : vector<1x16xf32> to vector<16xf32>
        %swap3A_221 = vector.shape_cast %get3A_215 : vector<16xf32> to vector<1x16xf32>
        tpu.vector_store %arg8[%swap3A_217, %swap3A_218], %swap3A_221 {strides = array<i32>} : memref<24x128xf32, #tpu.memory_space<vmem>>, vector<1x16xf32>,
        %get3A_222 = arith.constant 20 : i32
        %get3A_223 = arith.index_cast %get3A_222 : i32 to index
        %get3A_224 = arith.constant 48 : index
        %get3A_225 = tpu.vector_load %arg7[%get3A_223, %get3A_224] {strides = array<i32>} : memref<288x128xf32, #tpu.memory_space<vmem>>, vector<1x16xf32>,
        %get3A_226 = vector.shape_cast %get3A_225 : vector<1x16xf32> to vector<16xf32>
        %swap3A_227 = arith.constant 20 : i32
        %swap3A_228 = arith.index_cast %swap3A_227 : i32 to index
        %swap3A_229 = arith.constant 48 : index
        %swap3A_230 = tpu.vector_load %arg8[%swap3A_228, %swap3A_229] {strides = array<i32>} : memref<24x128xf32, #tpu.memory_space<vmem>>, vector<1x16xf32>,
        %swap3A_231 = vector.shape_cast %swap3A_230 : vector<1x16xf32> to vector<16xf32>
        %swap3A_232 = vector.shape_cast %get3A_226 : vector<16xf32> to vector<1x16xf32>
        tpu.vector_store %arg8[%swap3A_228, %swap3A_229], %swap3A_232 {strides = array<i32>} : memref<24x128xf32, #tpu.memory_space<vmem>>, vector<1x16xf32>,
        %get3A_233 = arith.constant 20 : i32
        %get3A_234 = arith.index_cast %get3A_233 : i32 to index
        %get3A_235 = arith.constant 64 : index
        %get3A_236 = tpu.vector_load %arg7[%get3A_234, %get3A_235] {strides = array<i32>} : memref<288x128xf32, #tpu.memory_space<vmem>>, vector<1x16xf32>,
        %get3A_237 = vector.shape_cast %get3A_236 : vector<1x16xf32> to vector<16xf32>
        %swap3A_238 = arith.constant 20 : i32
        %swap3A_239 = arith.index_cast %swap3A_238 : i32 to index
        %swap3A_240 = arith.constant 64 : index
        %swap3A_241 = tpu.vector_load %arg8[%swap3A_239, %swap3A_240] {strides = array<i32>} : memref<24x128xf32, #tpu.memory_space<vmem>>, vector<1x16xf32>,
        %swap3A_242 = vector.shape_cast %swap3A_241 : vector<1x16xf32> to vector<16xf32>
        %swap3A_243 = vector.shape_cast %get3A_237 : vector<16xf32> to vector<1x16xf32>
        tpu.vector_store %arg8[%swap3A_239, %swap3A_240], %swap3A_243 {strides = array<i32>} : memref<24x128xf32, #tpu.memory_space<vmem>>, vector<1x16xf32>,
        %get3A_244 = arith.constant 20 : i32
        %get3A_245 = arith.index_cast %get3A_244 : i32 to index
        %get3A_246 = arith.constant 80 : index
        %get3A_247 = tpu.vector_load %arg7[%get3A_245, %get3A_246] {strides = array<i32>} : memref<288x128xf32, #tpu.memory_space<vmem>>, vector<1x16xf32>,
        %get3A_248 = vector.shape_cast %get3A_247 : vector<1x16xf32> to vector<16xf32>
        %swap3A_249 = arith.constant 20 : i32
        %swap3A_250 = arith.index_cast %swap3A_249 : i32 to index
        %swap3A_251 = arith.constant 80 : index
        %swap3A_252 = tpu.vector_load %arg8[%swap3A_250, %swap3A_251] {strides = array<i32>} : memref<24x128xf32, #tpu.memory_space<vmem>>, vector<1x16xf32>,
        %swap3A_253 = vector.shape_cast %swap3A_252 : vector<1x16xf32> to vector<16xf32>
        %swap3A_254 = vector.shape_cast %get3A_248 : vector<16xf32> to vector<1x16xf32>
        tpu.vector_store %arg8[%swap3A_250, %swap3A_251], %swap3A_254 {strides = array<i32>} : memref<24x128xf32, #tpu.memory_space<vmem>>, vector<1x16xf32>,
        %get3A_255 = arith.constant 20 : i32
        %get3A_256 = arith.index_cast %get3A_255 : i32 to index
        %get3A_257 = arith.constant 96 : index
        %get3A_258 = tpu.vector_load %arg7[%get3A_256, %get3A_257] {strides = array<i32>} : memref<288x128xf32, #tpu.memory_space<vmem>>, vector<1x16xf32>,
        %get3A_259 = vector.shape_cast %get3A_258 : vector<1x16xf32> to vector<16xf32>
        %swap3A_260 = arith.constant 20 : i32
        %swap3A_261 = arith.index_cast %swap3A_260 : i32 to index
        %swap3A_262 = arith.constant 96 : index
        %swap3A_263 = tpu.vector_load %arg8[%swap3A_261, %swap3A_262] {strides = array<i32>} : memref<24x128xf32, #tpu.memory_space<vmem>>, vector<1x16xf32>,
        %swap3A_264 = vector.shape_cast %swap3A_263 : vector<1x16xf32> to vector<16xf32>
        %swap3A_265 = vector.shape_cast %get3A_259 : vector<16xf32> to vector<1x16xf32>
        tpu.vector_store %arg8[%swap3A_261, %swap3A_262], %swap3A_265 {strides = array<i32>} : memref<24x128xf32, #tpu.memory_space<vmem>>, vector<1x16xf32>,
        %get3A_266 = arith.constant 20 : i32
        %get3A_267 = arith.index_cast %get3A_266 : i32 to index
        %get3A_268 = arith.constant 112 : index
        %get3A_269 = tpu.vector_load %arg7[%get3A_267, %get3A_268] {strides = array<i32>} : memref<288x128xf32, #tpu.memory_space<vmem>>, vector<1x16xf32>,
        %get3A_270 = vector.shape_cast %get3A_269 : vector<1x16xf32> to vector<16xf32>
        %swap3A_271 = arith.constant 20 : i32
        %swap3A_272 = arith.index_cast %swap3A_271 : i32 to index
        %swap3A_273 = arith.constant 112 : index
        %swap3A_274 = tpu.vector_load %arg8[%swap3A_272, %swap3A_273] {strides = array<i32>} : memref<24x128xf32, #tpu.memory_space<vmem>>, vector<1x16xf32>,
        %swap3A_275 = vector.shape_cast %swap3A_274 : vector<1x16xf32> to vector<16xf32>
        %swap3A_276 = vector.shape_cast %get3A_270 : vector<16xf32> to vector<1x16xf32>
        tpu.vector_store %arg8[%swap3A_272, %swap3A_273], %swap3A_276 {strides = array<i32>} : memref<24x128xf32, #tpu.memory_space<vmem>>, vector<1x16xf32>,
        %get3A_277 = arith.constant 21 : i32
        %get3A_278 = arith.index_cast %get3A_277 : i32 to index
        %get3A_279 = arith.constant 0 : index
        %get3A_280 = tpu.vector_load %arg7[%get3A_278, %get3A_279] {strides = array<i32>} : memref<288x128xf32, #tpu.memory_space<vmem>>, vector<1x16xf32>,
        %get3A_281 = vector.shape_cast %get3A_280 : vector<1x16xf32> to vector<16xf32>
        %swap3A_282 = arith.constant 21 : i32
        %swap3A_283 = arith.index_cast %swap3A_282 : i32 to index
        %swap3A_284 = arith.constant 0 : index
        %swap3A_285 = tpu.vector_load %arg8[%swap3A_283, %swap3A_284] {strides = array<i32>} : memref<24x128xf32, #tpu.memory_space<vmem>>, vector<1x16xf32>,
        %swap3A_286 = vector.shape_cast %swap3A_285 : vector<1x16xf32> to vector<16xf32>
        %swap3A_287 = vector.shape_cast %get3A_281 : vector<16xf32> to vector<1x16xf32>
        tpu.vector_store %arg8[%swap3A_283, %swap3A_284], %swap3A_287 {strides = array<i32>} : memref<24x128xf32, #tpu.memory_space<vmem>>, vector<1x16xf32>,
        %get3A_288 = arith.constant 21 : i32
        %get3A_289 = arith.index_cast %get3A_288 : i32 to index
        %get3A_290 = arith.constant 16 : index
        %get3A_291 = tpu.vector_load %arg7[%get3A_289, %get3A_290] {strides = array<i32>} : memref<288x128xf32, #tpu.memory_space<vmem>>, vector<1x16xf32>,
        %get3A_292 = vector.shape_cast %get3A_291 : vector<1x16xf32> to vector<16xf32>
        %swap3A_293 = arith.constant 21 : i32
        %swap3A_294 = arith.index_cast %swap3A_293 : i32 to index
        %swap3A_295 = arith.constant 16 : index
        %swap3A_296 = tpu.vector_load %arg8[%swap3A_294, %swap3A_295] {strides = array<i32>} : memref<24x128xf32, #tpu.memory_space<vmem>>, vector<1x16xf32>,
        %swap3A_297 = vector.shape_cast %swap3A_296 : vector<1x16xf32> to vector<16xf32>
        %swap3A_298 = vector.shape_cast %get3A_292 : vector<16xf32> to vector<1x16xf32>
        tpu.vector_store %arg8[%swap3A_294, %swap3A_295], %swap3A_298 {strides = array<i32>} : memref<24x128xf32, #tpu.memory_space<vmem>>, vector<1x16xf32>,
        %get3A_299 = arith.constant 21 : i32
        %get3A_300 = arith.index_cast %get3A_299 : i32 to index
        %get3A_301 = arith.constant 32 : index
        %get3A_302 = tpu.vector_load %arg7[%get3A_300, %get3A_301] {strides = array<i32>} : memref<288x128xf32, #tpu.memory_space<vmem>>, vector<1x16xf32>,
        %get3A_303 = vector.shape_cast %get3A_302 : vector<1x16xf32> to vector<16xf32>
        %swap3A_304 = arith.constant 21 : i32
        %swap3A_305 = arith.index_cast %swap3A_304 : i32 to index
        %swap3A_306 = arith.constant 32 : index
        %swap3A_307 = tpu.vector_load %arg8[%swap3A_305, %swap3A_306] {strides = array<i32>} : memref<24x128xf32, #tpu.memory_space<vmem>>, vector<1x16xf32>,
        %swap3A_308 = vector.shape_cast %swap3A_307 : vector<1x16xf32> to vector<16xf32>
        %swap3A_309 = vector.shape_cast %get3A_303 : vector<16xf32> to vector<1x16xf32>
        tpu.vector_store %arg8[%swap3A_305, %swap3A_306], %swap3A_309 {strides = array<i32>} : memref<24x128xf32, #tpu.memory_space<vmem>>, vector<1x16xf32>,
        %get3A_310 = arith.constant 21 : i32
        %get3A_311 = arith.index_cast %get3A_310 : i32 to index
        %get3A_312 = arith.constant 48 : index
        %get3A_313 = tpu.vector_load %arg7[%get3A_311, %get3A_312] {strides = array<i32>} : memref<288x128xf32, #tpu.memory_space<vmem>>, vector<1x16xf32>,
        %get3A_314 = vector.shape_cast %get3A_313 : vector<1x16xf32> to vector<16xf32>
        %swap3A_315 = arith.constant 21 : i32
        %swap3A_316 = arith.index_cast %swap3A_315 : i32 to index
        %swap3A_317 = arith.constant 48 : index
        %swap3A_318 = tpu.vector_load %arg8[%swap3A_316, %swap3A_317] {strides = array<i32>} : memref<24x128xf32, #tpu.memory_space<vmem>>, vector<1x16xf32>,
        %swap3A_319 = vector.shape_cast %swap3A_318 : vector<1x16xf32> to vector<16xf32>
        %swap3A_320 = vector.shape_cast %get3A_314 : vector<16xf32> to vector<1x16xf32>
        tpu.vector_store %arg8[%swap3A_316, %swap3A_317], %swap3A_320 {strides = array<i32>} : memref<24x128xf32, #tpu.memory_space<vmem>>, vector<1x16xf32>,
        %get3A_321 = arith.constant 21 : i32
        %get3A_322 = arith.index_cast %get3A_321 : i32 to index
        %get3A_323 = arith.constant 64 : index
        %get3A_324 = tpu.vector_load %arg7[%get3A_322, %get3A_323] {strides = array<i32>} : memref<288x128xf32, #tpu.memory_space<vmem>>, vector<1x16xf32>,
        %get3A_325 = vector.shape_cast %get3A_324 : vector<1x16xf32> to vector<16xf32>
        %swap3A_326 = arith.constant 21 : i32
        %swap3A_327 = arith.index_cast %swap3A_326 : i32 to index
        %swap3A_328 = arith.constant 64 : index
        %swap3A_329 = tpu.vector_load %arg8[%swap3A_327, %swap3A_328] {strides = array<i32>} : memref<24x128xf32, #tpu.memory_space<vmem>>, vector<1x16xf32>,
        %swap3A_330 = vector.shape_cast %swap3A_329 : vector<1x16xf32> to vector<16xf32>
        %swap3A_331 = vector.shape_cast %get3A_325 : vector<16xf32> to vector<1x16xf32>
        tpu.vector_store %arg8[%swap3A_327, %swap3A_328], %swap3A_331 {strides = array<i32>} : memref<24x128xf32, #tpu.memory_space<vmem>>, vector<1x16xf32>,
        %get3A_332 = arith.constant 21 : i32
        %get3A_333 = arith.index_cast %get3A_332 : i32 to index
        %get3A_334 = arith.constant 80 : index
        %get3A_335 = tpu.vector_load %arg7[%get3A_333, %get3A_334] {strides = array<i32>} : memref<288x128xf32, #tpu.memory_space<vmem>>, vector<1x16xf32>,
        %get3A_336 = vector.shape_cast %get3A_335 : vector<1x16xf32> to vector<16xf32>
        %swap3A_337 = arith.constant 21 : i32
        %swap3A_338 = arith.index_cast %swap3A_337 : i32 to index
        %swap3A_339 = arith.constant 80 : index
        %swap3A_340 = tpu.vector_load %arg8[%swap3A_338, %swap3A_339] {strides = array<i32>} : memref<24x128xf32, #tpu.memory_space<vmem>>, vector<1x16xf32>,
        %swap3A_341 = vector.shape_cast %swap3A_340 : vector<1x16xf32> to vector<16xf32>
        %swap3A_342 = vector.shape_cast %get3A_336 : vector<16xf32> to vector<1x16xf32>
        tpu.vector_store %arg8[%swap3A_338, %swap3A_339], %swap3A_342 {strides = array<i32>} : memref<24x128xf32, #tpu.memory_space<vmem>>, vector<1x16xf32>,
        %get3A_343 = arith.constant 21 : i32
        %get3A_344 = arith.index_cast %get3A_343 : i32 to index
        %get3A_345 = arith.constant 96 : index
        %get3A_346 = tpu.vector_load %arg7[%get3A_344, %get3A_345] {strides = array<i32>} : memref<288x128xf32, #tpu.memory_space<vmem>>, vector<1x16xf32>,
        %get3A_347 = vector.shape_cast %get3A_346 : vector<1x16xf32> to vector<16xf32>
        %swap3A_348 = arith.constant 21 : i32
        %swap3A_349 = arith.index_cast %swap3A_348 : i32 to index
        %swap3A_350 = arith.constant 96 : index
        %swap3A_351 = tpu.vector_load %arg8[%swap3A_349, %swap3A_350] {strides = array<i32>} : memref<24x128xf32, #tpu.memory_space<vmem>>, vector<1x16xf32>,
        %swap3A_352 = vector.shape_cast %swap3A_351 : vector<1x16xf32> to vector<16xf32>
        %swap3A_353 = vector.shape_cast %get3A_347 : vector<16xf32> to vector<1x16xf32>
        tpu.vector_store %arg8[%swap3A_349, %swap3A_350], %swap3A_353 {strides = array<i32>} : memref<24x128xf32, #tpu.memory_space<vmem>>, vector<1x16xf32>,
        %get3A_354 = arith.constant 21 : i32
        %get3A_355 = arith.index_cast %get3A_354 : i32 to index
        %get3A_356 = arith.constant 112 : index
        %get3A_357 = tpu.vector_load %arg7[%get3A_355, %get3A_356] {strides = array<i32>} : memref<288x128xf32, #tpu.memory_space<vmem>>, vector<1x16xf32>,
        %get3A_358 = vector.shape_cast %get3A_357 : vector<1x16xf32> to vector<16xf32>
        %swap3A_359 = arith.constant 21 : i32
        %swap3A_360 = arith.index_cast %swap3A_359 : i32 to index
        %swap3A_361 = arith.constant 112 : index
        %swap3A_362 = tpu.vector_load %arg8[%swap3A_360, %swap3A_361] {strides = array<i32>} : memref<24x128xf32, #tpu.memory_space<vmem>>, vector<1x16xf32>,
        %swap3A_363 = vector.shape_cast %swap3A_362 : vector<1x16xf32> to vector<16xf32>
        %swap3A_364 = vector.shape_cast %get3A_358 : vector<16xf32> to vector<1x16xf32>
        tpu.vector_store %arg8[%swap3A_360, %swap3A_361], %swap3A_364 {strides = array<i32>} : memref<24x128xf32, #tpu.memory_space<vmem>>, vector<1x16xf32>,
        %get3A_365 = arith.constant 22 : i32
        %get3A_366 = arith.index_cast %get3A_365 : i32 to index
        %get3A_367 = arith.constant 0 : index
        %get3A_368 = tpu.vector_load %arg7[%get3A_366, %get3A_367] {strides = array<i32>} : memref<288x128xf32, #tpu.memory_space<vmem>>, vector<1x16xf32>,
        %get3A_369 = vector.shape_cast %get3A_368 : vector<1x16xf32> to vector<16xf32>
        %swap3A_370 = arith.constant 22 : i32
        %swap3A_371 = arith.index_cast %swap3A_370 : i32 to index
        %swap3A_372 = arith.constant 0 : index
        %swap3A_373 = tpu.vector_load %arg8[%swap3A_371, %swap3A_372] {strides = array<i32>} : memref<24x128xf32, #tpu.memory_space<vmem>>, vector<1x16xf32>,
        %swap3A_374 = vector.shape_cast %swap3A_373 : vector<1x16xf32> to vector<16xf32>
        %swap3A_375 = vector.shape_cast %get3A_369 : vector<16xf32> to vector<1x16xf32>
        tpu.vector_store %arg8[%swap3A_371, %swap3A_372], %swap3A_375 {strides = array<i32>} : memref<24x128xf32, #tpu.memory_space<vmem>>, vector<1x16xf32>,
        %get3A_376 = arith.constant 22 : i32
        %get3A_377 = arith.index_cast %get3A_376 : i32 to index
        %get3A_378 = arith.constant 16 : index
        %get3A_379 = tpu.vector_load %arg7[%get3A_377, %get3A_378] {strides = array<i32>} : memref<288x128xf32, #tpu.memory_space<vmem>>, vector<1x16xf32>,
        %get3A_380 = vector.shape_cast %get3A_379 : vector<1x16xf32> to vector<16xf32>
        %swap3A_381 = arith.constant 22 : i32
        %swap3A_382 = arith.index_cast %swap3A_381 : i32 to index
        %swap3A_383 = arith.constant 16 : index
        %swap3A_384 = tpu.vector_load %arg8[%swap3A_382, %swap3A_383] {strides = array<i32>} : memref<24x128xf32, #tpu.memory_space<vmem>>, vector<1x16xf32>,
        %swap3A_385 = vector.shape_cast %swap3A_384 : vector<1x16xf32> to vector<16xf32>
        %swap3A_386 = vector.shape_cast %get3A_380 : vector<16xf32> to vector<1x16xf32>
        tpu.vector_store %arg8[%swap3A_382, %swap3A_383], %swap3A_386 {strides = array<i32>} : memref<24x128xf32, #tpu.memory_space<vmem>>, vector<1x16xf32>,
        %get3A_387 = arith.constant 22 : i32
        %get3A_388 = arith.index_cast %get3A_387 : i32 to index
        %get3A_389 = arith.constant 32 : index
        %get3A_390 = tpu.vector_load %arg7[%get3A_388, %get3A_389] {strides = array<i32>} : memref<288x128xf32, #tpu.memory_space<vmem>>, vector<1x16xf32>,
        %get3A_391 = vector.shape_cast %get3A_390 : vector<1x16xf32> to vector<16xf32>
        %swap3A_392 = arith.constant 22 : i32
        %swap3A_393 = arith.index_cast %swap3A_392 : i32 to index
        %swap3A_394 = arith.constant 32 : index
        %swap3A_395 = tpu.vector_load %arg8[%swap3A_393, %swap3A_394] {strides = array<i32>} : memref<24x128xf32, #tpu.memory_space<vmem>>, vector<1x16xf32>,
        %swap3A_396 = vector.shape_cast %swap3A_395 : vector<1x16xf32> to vector<16xf32>
        %swap3A_397 = vector.shape_cast %get3A_391 : vector<16xf32> to vector<1x16xf32>
        tpu.vector_store %arg8[%swap3A_393, %swap3A_394], %swap3A_397 {strides = array<i32>} : memref<24x128xf32, #tpu.memory_space<vmem>>, vector<1x16xf32>,
        %get3A_398 = arith.constant 22 : i32
        %get3A_399 = arith.index_cast %get3A_398 : i32 to index
        %get3A_400 = arith.constant 48 : index
        %get3A_401 = tpu.vector_load %arg7[%get3A_399, %get3A_400] {strides = array<i32>} : memref<288x128xf32, #tpu.memory_space<vmem>>, vector<1x16xf32>,
        %get3A_402 = vector.shape_cast %get3A_401 : vector<1x16xf32> to vector<16xf32>
        %swap3A_403 = arith.constant 22 : i32
        %swap3A_404 = arith.index_cast %swap3A_403 : i32 to index
        %swap3A_405 = arith.constant 48 : index
        %swap3A_406 = tpu.vector_load %arg8[%swap3A_404, %swap3A_405] {strides = array<i32>} : memref<24x128xf32, #tpu.memory_space<vmem>>, vector<1x16xf32>,
        %swap3A_407 = vector.shape_cast %swap3A_406 : vector<1x16xf32> to vector<16xf32>
        %swap3A_408 = vector.shape_cast %get3A_402 : vector<16xf32> to vector<1x16xf32>
        tpu.vector_store %arg8[%swap3A_404, %swap3A_405], %swap3A_408 {strides = array<i32>} : memref<24x128xf32, #tpu.memory_space<vmem>>, vector<1x16xf32>,
        %get3A_409 = arith.constant 22 : i32
        %get3A_410 = arith.index_cast %get3A_409 : i32 to index
        %get3A_411 = arith.constant 64 : index
        %get3A_412 = tpu.vector_load %arg7[%get3A_410, %get3A_411] {strides = array<i32>} : memref<288x128xf32, #tpu.memory_space<vmem>>, vector<1x16xf32>,
        %get3A_413 = vector.shape_cast %get3A_412 : vector<1x16xf32> to vector<16xf32>
        %swap3A_414 = arith.constant 22 : i32
        %swap3A_415 = arith.index_cast %swap3A_414 : i32 to index
        %swap3A_416 = arith.constant 64 : index
        %swap3A_417 = tpu.vector_load %arg8[%swap3A_415, %swap3A_416] {strides = array<i32>} : memref<24x128xf32, #tpu.memory_space<vmem>>, vector<1x16xf32>,
        %swap3A_418 = vector.shape_cast %swap3A_417 : vector<1x16xf32> to vector<16xf32>
        %swap3A_419 = vector.shape_cast %get3A_413 : vector<16xf32> to vector<1x16xf32>
        tpu.vector_store %arg8[%swap3A_415, %swap3A_416], %swap3A_419 {strides = array<i32>} : memref<24x128xf32, #tpu.memory_space<vmem>>, vector<1x16xf32>,
        %get3A_420 = arith.constant 22 : i32
        %get3A_421 = arith.index_cast %get3A_420 : i32 to index
        %get3A_422 = arith.constant 80 : index
        %get3A_423 = tpu.vector_load %arg7[%get3A_421, %get3A_422] {strides = array<i32>} : memref<288x128xf32, #tpu.memory_space<vmem>>, vector<1x16xf32>,
        %get3A_424 = vector.shape_cast %get3A_423 : vector<1x16xf32> to vector<16xf32>
        %swap3A_425 = arith.constant 22 : i32
        %swap3A_426 = arith.index_cast %swap3A_425 : i32 to index
        %swap3A_427 = arith.constant 80 : index
        %swap3A_428 = tpu.vector_load %arg8[%swap3A_426, %swap3A_427] {strides = array<i32>} : memref<24x128xf32, #tpu.memory_space<vmem>>, vector<1x16xf32>,
        %swap3A_429 = vector.shape_cast %swap3A_428 : vector<1x16xf32> to vector<16xf32>
        %swap3A_430 = vector.shape_cast %get3A_424 : vector<16xf32> to vector<1x16xf32>
        tpu.vector_store %arg8[%swap3A_426, %swap3A_427], %swap3A_430 {strides = array<i32>} : memref<24x128xf32, #tpu.memory_space<vmem>>, vector<1x16xf32>,
        %get3A_431 = arith.constant 22 : i32
        %get3A_432 = arith.index_cast %get3A_431 : i32 to index
        %get3A_433 = arith.constant 96 : index
        %get3A_434 = tpu.vector_load %arg7[%get3A_432, %get3A_433] {strides = array<i32>} : memref<288x128xf32, #tpu.memory_space<vmem>>, vector<1x16xf32>,
        %get3A_435 = vector.shape_cast %get3A_434 : vector<1x16xf32> to vector<16xf32>
        %swap3A_436 = arith.constant 22 : i32
        %swap3A_437 = arith.index_cast %swap3A_436 : i32 to index
        %swap3A_438 = arith.constant 96 : index
        %swap3A_439 = tpu.vector_load %arg8[%swap3A_437, %swap3A_438] {strides = array<i32>} : memref<24x128xf32, #tpu.memory_space<vmem>>, vector<1x16xf32>,
        %swap3A_440 = vector.shape_cast %swap3A_439 : vector<1x16xf32> to vector<16xf32>
        %swap3A_441 = vector.shape_cast %get3A_435 : vector<16xf32> to vector<1x16xf32>
        tpu.vector_store %arg8[%swap3A_437, %swap3A_438], %swap3A_441 {strides = array<i32>} : memref<24x128xf32, #tpu.memory_space<vmem>>, vector<1x16xf32>,
        %get3A_442 = arith.constant 22 : i32
        %get3A_443 = arith.index_cast %get3A_442 : i32 to index
        %get3A_444 = arith.constant 112 : index
        %get3A_445 = tpu.vector_load %arg7[%get3A_443, %get3A_444] {strides = array<i32>} : memref<288x128xf32, #tpu.memory_space<vmem>>, vector<1x16xf32>,
        %get3A_446 = vector.shape_cast %get3A_445 : vector<1x16xf32> to vector<16xf32>
        %swap3A_447 = arith.constant 22 : i32
        %swap3A_448 = arith.index_cast %swap3A_447 : i32 to index
        %swap3A_449 = arith.constant 112 : index
        %swap3A_450 = tpu.vector_load %arg8[%swap3A_448, %swap3A_449] {strides = array<i32>} : memref<24x128xf32, #tpu.memory_space<vmem>>, vector<1x16xf32>,
        %swap3A_451 = vector.shape_cast %swap3A_450 : vector<1x16xf32> to vector<16xf32>
        %swap3A_452 = vector.shape_cast %get3A_446 : vector<16xf32> to vector<1x16xf32>
        tpu.vector_store %arg8[%swap3A_448, %swap3A_449], %swap3A_452 {strides = array<i32>} : memref<24x128xf32, #tpu.memory_space<vmem>>, vector<1x16xf32>,
        %get3A_453 = arith.constant 23 : i32
        %get3A_454 = arith.index_cast %get3A_453 : i32 to index
        %get3A_455 = arith.constant 0 : index
        %get3A_456 = tpu.vector_load %arg7[%get3A_454, %get3A_455] {strides = array<i32>} : memref<288x128xf32, #tpu.memory_space<vmem>>, vector<1x16xf32>,
        %get3A_457 = vector.shape_cast %get3A_456 : vector<1x16xf32> to vector<16xf32>
        %swap3A_458 = arith.constant 23 : i32
        %swap3A_459 = arith.index_cast %swap3A_458 : i32 to index
        %swap3A_460 = arith.constant 0 : index
        %swap3A_461 = tpu.vector_load %arg8[%swap3A_459, %swap3A_460] {strides = array<i32>} : memref<24x128xf32, #tpu.memory_space<vmem>>, vector<1x16xf32>,
        %swap3A_462 = vector.shape_cast %swap3A_461 : vector<1x16xf32> to vector<16xf32>
        %swap3A_463 = vector.shape_cast %get3A_457 : vector<16xf32> to vector<1x16xf32>
        tpu.vector_store %arg8[%swap3A_459, %swap3A_460], %swap3A_463 {strides = array<i32>} : memref<24x128xf32, #tpu.memory_space<vmem>>, vector<1x16xf32>,
        %get3A_464 = arith.constant 23 : i32
        %get3A_465 = arith.index_cast %get3A_464 : i32 to index
        %get3A_466 = arith.constant 16 : index
        %get3A_467 = tpu.vector_load %arg7[%get3A_465, %get3A_466] {strides = array<i32>} : memref<288x128xf32, #tpu.memory_space<vmem>>, vector<1x16xf32>,
        %get3A_468 = vector.shape_cast %get3A_467 : vector<1x16xf32> to vector<16xf32>
        %swap3A_469 = arith.constant 23 : i32
        %swap3A_470 = arith.index_cast %swap3A_469 : i32 to index
        %swap3A_471 = arith.constant 16 : index
        %swap3A_472 = tpu.vector_load %arg8[%swap3A_470, %swap3A_471] {strides = array<i32>} : memref<24x128xf32, #tpu.memory_space<vmem>>, vector<1x16xf32>,
        %swap3A_473 = vector.shape_cast %swap3A_472 : vector<1x16xf32> to vector<16xf32>
        %swap3A_474 = vector.shape_cast %get3A_468 : vector<16xf32> to vector<1x16xf32>
        tpu.vector_store %arg8[%swap3A_470, %swap3A_471], %swap3A_474 {strides = array<i32>} : memref<24x128xf32, #tpu.memory_space<vmem>>, vector<1x16xf32>,
        %get3A_475 = arith.constant 23 : i32
        %get3A_476 = arith.index_cast %get3A_475 : i32 to index
        %get3A_477 = arith.constant 32 : index
        %get3A_478 = tpu.vector_load %arg7[%get3A_476, %get3A_477] {strides = array<i32>} : memref<288x128xf32, #tpu.memory_space<vmem>>, vector<1x16xf32>,
        %get3A_479 = vector.shape_cast %get3A_478 : vector<1x16xf32> to vector<16xf32>
        %swap3A_480 = arith.constant 23 : i32
        %swap3A_481 = arith.index_cast %swap3A_480 : i32 to index
        %swap3A_482 = arith.constant 32 : index
        %swap3A_483 = tpu.vector_load %arg8[%swap3A_481, %swap3A_482] {strides = array<i32>} : memref<24x128xf32, #tpu.memory_space<vmem>>, vector<1x16xf32>,
        %swap3A_484 = vector.shape_cast %swap3A_483 : vector<1x16xf32> to vector<16xf32>
        %swap3A_485 = vector.shape_cast %get3A_479 : vector<16xf32> to vector<1x16xf32>
        tpu.vector_store %arg8[%swap3A_481, %swap3A_482], %swap3A_485 {strides = array<i32>} : memref<24x128xf32, #tpu.memory_space<vmem>>, vector<1x16xf32>,
        %get3A_486 = arith.constant 23 : i32
        %get3A_487 = arith.index_cast %get3A_486 : i32 to index
        %get3A_488 = arith.constant 48 : index
        %get3A_489 = tpu.vector_load %arg7[%get3A_487, %get3A_488] {strides = array<i32>} : memref<288x128xf32, #tpu.memory_space<vmem>>, vector<1x16xf32>,
        %get3A_490 = vector.shape_cast %get3A_489 : vector<1x16xf32> to vector<16xf32>
        %swap3A_491 = arith.constant 23 : i32
        %swap3A_492 = arith.index_cast %swap3A_491 : i32 to index
        %swap3A_493 = arith.constant 48 : index
        %swap3A_494 = tpu.vector_load %arg8[%swap3A_492, %swap3A_493] {strides = array<i32>} : memref<24x128xf32, #tpu.memory_space<vmem>>, vector<1x16xf32>,
        %swap3A_495 = vector.shape_cast %swap3A_494 : vector<1x16xf32> to vector<16xf32>
        %swap3A_496 = vector.shape_cast %get3A_490 : vector<16xf32> to vector<1x16xf32>
        tpu.vector_store %arg8[%swap3A_492, %swap3A_493], %swap3A_496 {strides = array<i32>} : memref<24x128xf32, #tpu.memory_space<vmem>>, vector<1x16xf32>,
        %get3A_497 = arith.constant 23 : i32
        %get3A_498 = arith.index_cast %get3A_497 : i32 to index
        %get3A_499 = arith.constant 64 : index
        %get3A_500 = tpu.vector_load %arg7[%get3A_498, %get3A_499] {strides = array<i32>} : memref<288x128xf32, #tpu.memory_space<vmem>>, vector<1x16xf32>,
        %get3A_501 = vector.shape_cast %get3A_500 : vector<1x16xf32> to vector<16xf32>
        %swap3A_502 = arith.constant 23 : i32
        %swap3A_503 = arith.index_cast %swap3A_502 : i32 to index
        %swap3A_504 = arith.constant 64 : index
        %swap3A_505 = tpu.vector_load %arg8[%swap3A_503, %swap3A_504] {strides = array<i32>} : memref<24x128xf32, #tpu.memory_space<vmem>>, vector<1x16xf32>,
        %swap3A_506 = vector.shape_cast %swap3A_505 : vector<1x16xf32> to vector<16xf32>
        %swap3A_507 = vector.shape_cast %get3A_501 : vector<16xf32> to vector<1x16xf32>
        tpu.vector_store %arg8[%swap3A_503, %swap3A_504], %swap3A_507 {strides = array<i32>} : memref<24x128xf32, #tpu.memory_space<vmem>>, vector<1x16xf32>,
        %get3A_508 = arith.constant 23 : i32
        %get3A_509 = arith.index_cast %get3A_508 : i32 to index
        %get3A_510 = arith.constant 80 : index
        %get3A_511 = tpu.vector_load %arg7[%get3A_509, %get3A_510] {strides = array<i32>} : memref<288x128xf32, #tpu.memory_space<vmem>>, vector<1x16xf32>,
        %get3A_512 = vector.shape_cast %get3A_511 : vector<1x16xf32> to vector<16xf32>
        %swap3A_513 = arith.constant 23 : i32
        %swap3A_514 = arith.index_cast %swap3A_513 : i32 to index
        %swap3A_515 = arith.constant 80 : index
        %swap3A_516 = tpu.vector_load %arg8[%swap3A_514, %swap3A_515] {strides = array<i32>} : memref<24x128xf32, #tpu.memory_space<vmem>>, vector<1x16xf32>,
        %swap3A_517 = vector.shape_cast %swap3A_516 : vector<1x16xf32> to vector<16xf32>
        %swap3A_518 = vector.shape_cast %get3A_512 : vector<16xf32> to vector<1x16xf32>
        tpu.vector_store %arg8[%swap3A_514, %swap3A_515], %swap3A_518 {strides = array<i32>} : memref<24x128xf32, #tpu.memory_space<vmem>>, vector<1x16xf32>,
        %get3A_519 = arith.constant 23 : i32
        %get3A_520 = arith.index_cast %get3A_519 : i32 to index
        %get3A_521 = arith.constant 96 : index
        %get3A_522 = tpu.vector_load %arg7[%get3A_520, %get3A_521] {strides = array<i32>} : memref<288x128xf32, #tpu.memory_space<vmem>>, vector<1x16xf32>,
        %get3A_523 = vector.shape_cast %get3A_522 : vector<1x16xf32> to vector<16xf32>
        %swap3A_524 = arith.constant 23 : i32
        %swap3A_525 = arith.index_cast %swap3A_524 : i32 to index
        %swap3A_526 = arith.constant 96 : index
        %swap3A_527 = tpu.vector_load %arg8[%swap3A_525, %swap3A_526] {strides = array<i32>} : memref<24x128xf32, #tpu.memory_space<vmem>>, vector<1x16xf32>,
        %swap3A_528 = vector.shape_cast %swap3A_527 : vector<1x16xf32> to vector<16xf32>
        %swap3A_529 = vector.shape_cast %get3A_523 : vector<16xf32> to vector<1x16xf32>
        tpu.vector_store %arg8[%swap3A_525, %swap3A_526], %swap3A_529 {strides = array<i32>} : memref<24x128xf32, #tpu.memory_space<vmem>>, vector<1x16xf32>,
        %get3A_530 = arith.constant 23 : i32
        %get3A_531 = arith.index_cast %get3A_530 : i32 to index
        %get3A_532 = arith.constant 112 : index
        %get3A_533 = tpu.vector_load %arg7[%get3A_531, %get3A_532] {strides = array<i32>} : memref<288x128xf32, #tpu.memory_space<vmem>>, vector<1x16xf32>,
        %get3A_534 = vector.shape_cast %get3A_533 : vector<1x16xf32> to vector<16xf32>
        %swap3A_535 = arith.constant 23 : i32
        %swap3A_536 = arith.index_cast %swap3A_535 : i32 to index
        %swap3A_537 = arith.constant 112 : index
        %swap3A_538 = tpu.vector_load %arg8[%swap3A_536, %swap3A_537] {strides = array<i32>} : memref<24x128xf32, #tpu.memory_space<vmem>>, vector<1x16xf32>,
        %swap3A_539 = vector.shape_cast %swap3A_538 : vector<1x16xf32> to vector<16xf32>
        %swap3A_540 = vector.shape_cast %get3A_534 : vector<16xf32> to vector<1x16xf32>
        tpu.vector_store %arg8[%swap3A_536, %swap3A_537], %swap3A_540 {strides = array<i32>} : memref<24x128xf32, #tpu.memory_space<vmem>>, vector<1x16xf32>,
      } else {
      }
      %dma_wait3A_164 = arith.constant 0 : i32
      %dma_wait3A_165 = arith.constant 0 : i32
      %dma_wait3A_166 = tpu.memref_slice %arg7[%dma_wait3A_164, %dma_wait3A_165] : memref<288x128xf32, #tpu.memory_space<vmem>> -> memref<128x128xf32, #tpu.memory_space<vmem>>
      %dma_wait3A_167 = arith.constant 0 : i32
      %dma_wait3A_168 = tpu.memref_slice %arg5[%multiple_of3A_130, %dma_wait3A_167] : memref<8192x128xf32, #tpu.memory_space<hbm>> -> memref<128x128xf32, #tpu.memory_space<hbm>>
      %dma_wait3A_169 = arith.constant 0 : i32
      %dma_wait3A_170 = tpu.memref_slice %arg5[%multiple_of3A_130, %dma_wait3A_169] : memref<8192x128xf32, #tpu.memory_space<hbm>> -> memref<128x128xf32, #tpu.memory_space<hbm>>
      %dma_wait3A_171 = arith.constant 0 : i32
      %dma_wait3A_172 = arith.constant 0 : i32
      %dma_wait3A_173 = tpu.memref_slice %arg7[%dma_wait3A_171, %dma_wait3A_172] : memref<288x128xf32, #tpu.memory_space<vmem>> -> memref<128x128xf32, #tpu.memory_space<vmem>>
      tpu.wait_dma2 semaphore(%arg10 : memref<!tpu.dma_semaphore, #tpu.memory_space<semaphore_mem>>) src(%dma_wait3A_173 : memref<128x128xf32, #tpu.memory_space<vmem>>) dst(%dma_wait3A_170 : memref<128x128xf32, #tpu.memory_space<hbm>>)
      %convert_element_type3A_174 = arith.extui %and3A_45 : i1 to i32
      %cond3A_175 = arith.constant 0 : i32
      %cond3A_176 = arith.cmpi ne, %convert_element_type3A_174, %cond3A_175 : i32
      scf.if %cond3A_176 {
        %dma_wait3A_191 = arith.constant 0 : i32
        %dma_wait3A_192 = arith.constant 0 : i32
        %dma_wait3A_193 = tpu.memref_slice %arg8[%dma_wait3A_191, %dma_wait3A_192] : memref<24x128xf32, #tpu.memory_space<vmem>> -> memref<20x128xf32, #tpu.memory_space<vmem>>
        %dma_wait3A_194 = arith.constant 0 : i32
        %dma_wait3A_195 = arith.constant 0 : i32
        %dma_wait3A_196 = tpu.memref_slice %arg4[%cond3A, %dma_wait3A_194, %dma_wait3A_195] : memref<1x20x128xf32, #tpu.memory_space<hbm>> -> memref<1x20x128xf32, #tpu.memory_space<hbm>>
        %dma_wait3A_197 = tpu.memref_squeeze %dma_wait3A_196 : memref<1x20x128xf32, #tpu.memory_space<hbm>> -> memref<20x128xf32, #tpu.memory_space<hbm>>
        %dma_wait3A_198 = arith.constant 0 : i32
        %dma_wait3A_199 = arith.constant 0 : i32
        %dma_wait3A_200 = tpu.memref_slice %arg8[%dma_wait3A_198, %dma_wait3A_199] : memref<24x128xf32, #tpu.memory_space<vmem>> -> memref<20x128xf32, #tpu.memory_space<vmem>>
        %dma_wait3A_201 = arith.constant 0 : i32
        %dma_wait3A_202 = arith.constant 0 : i32
        %dma_wait3A_203 = tpu.memref_slice %arg4[%cond3A, %dma_wait3A_201, %dma_wait3A_202] : memref<1x20x128xf32, #tpu.memory_space<hbm>> -> memref<1x20x128xf32, #tpu.memory_space<hbm>>
        %dma_wait3A_204 = tpu.memref_squeeze %dma_wait3A_203 : memref<1x20x128xf32, #tpu.memory_space<hbm>> -> memref<20x128xf32, #tpu.memory_space<hbm>>
        tpu.wait_dma2 semaphore(%arg9 : memref<!tpu.dma_semaphore, #tpu.memory_space<semaphore_mem>>) src(%dma_wait3A_204 : memref<20x128xf32, #tpu.memory_space<hbm>>) dst(%dma_wait3A_200 : memref<20x128xf32, #tpu.memory_space<vmem>>)
        %dma_start3A_205 = arith.constant 0 : i32
        %dma_start3A_206 = tpu.memref_slice %arg5[%multiple_of3A_40, %dma_start3A_205] : memref<8192x128xf32, #tpu.memory_space<hbm>> -> memref<24x128xf32, #tpu.memory_space<hbm>>
        %dma_start3A_207 = arith.constant 0 : i32
        %dma_start3A_208 = tpu.memref_slice %arg5[%multiple_of3A_40, %dma_start3A_207] : memref<8192x128xf32, #tpu.memory_space<hbm>> -> memref<24x128xf32, #tpu.memory_space<hbm>>
        tpu.enqueue_dma source(%arg8 : memref<24x128xf32, #tpu.memory_space<vmem>>) target(%dma_start3A_208 : memref<24x128xf32, #tpu.memory_space<hbm>>) target_semaphore(%arg9 : memref<!tpu.dma_semaphore, #tpu.memory_space<semaphore_mem>>)
        %dma_wait3A_209 = arith.constant 0 : i32
        %dma_wait3A_210 = tpu.memref_slice %arg5[%multiple_of3A_40, %dma_wait3A_209] : memref<8192x128xf32, #tpu.memory_space<hbm>> -> memref<24x128xf32, #tpu.memory_space<hbm>>
        %dma_wait3A_211 = arith.constant 0 : i32
        %dma_wait3A_212 = tpu.memref_slice %arg5[%multiple_of3A_40, %dma_wait3A_211] : memref<8192x128xf32, #tpu.memory_space<hbm>> -> memref<24x128xf32, #tpu.memory_space<hbm>>
        tpu.wait_dma2 semaphore(%arg9 : memref<!tpu.dma_semaphore, #tpu.memory_space<semaphore_mem>>) src(%arg8 : memref<24x128xf32, #tpu.memory_space<vmem>>) dst(%dma_wait3A_212 : memref<24x128xf32, #tpu.memory_space<hbm>>)
      } else {
      }
      %not3A = arith.constant true
      %not3A_177 = arith.xori %and3A_45, %not3A : i1
      %convert_element_type3A_178 = arith.extui %not3A_177 : i1 to i32
      %cond3A_179 = arith.constant 0 : i32
      %cond3A_180 = arith.cmpi ne, %convert_element_type3A_178, %cond3A_179 : i32
      scf.if %cond3A_180 {
        %dma_wait3A_191 = arith.constant 0 : i32
        %dma_wait3A_192 = arith.constant 0 : i32
        %dma_wait3A_193 = tpu.memref_slice %arg8[%dma_wait3A_191, %dma_wait3A_192] : memref<24x128xf32, #tpu.memory_space<vmem>> -> memref<20x128xf32, #tpu.memory_space<vmem>>
        %dma_wait3A_194 = arith.constant 0 : i32
        %dma_wait3A_195 = arith.constant 0 : i32
        %dma_wait3A_196 = tpu.memref_slice %arg4[%cond3A, %dma_wait3A_194, %dma_wait3A_195] : memref<1x20x128xf32, #tpu.memory_space<hbm>> -> memref<1x20x128xf32, #tpu.memory_space<hbm>>
        %dma_wait3A_197 = tpu.memref_squeeze %dma_wait3A_196 : memref<1x20x128xf32, #tpu.memory_space<hbm>> -> memref<20x128xf32, #tpu.memory_space<hbm>>
        %dma_wait3A_198 = arith.constant 0 : i32
        %dma_wait3A_199 = arith.constant 0 : i32
        %dma_wait3A_200 = tpu.memref_slice %arg8[%dma_wait3A_198, %dma_wait3A_199] : memref<24x128xf32, #tpu.memory_space<vmem>> -> memref<20x128xf32, #tpu.memory_space<vmem>>
        %dma_wait3A_201 = arith.constant 0 : i32
        %dma_wait3A_202 = arith.constant 0 : i32
        %dma_wait3A_203 = tpu.memref_slice %arg4[%cond3A, %dma_wait3A_201, %dma_wait3A_202] : memref<1x20x128xf32, #tpu.memory_space<hbm>> -> memref<1x20x128xf32, #tpu.memory_space<hbm>>
        %dma_wait3A_204 = tpu.memref_squeeze %dma_wait3A_203 : memref<1x20x128xf32, #tpu.memory_space<hbm>> -> memref<20x128xf32, #tpu.memory_space<hbm>>
        tpu.wait_dma2 semaphore(%arg9 : memref<!tpu.dma_semaphore, #tpu.memory_space<semaphore_mem>>) src(%dma_wait3A_204 : memref<20x128xf32, #tpu.memory_space<hbm>>) dst(%dma_wait3A_200 : memref<20x128xf32, #tpu.memory_space<vmem>>)
      } else {
      }
      %dma_wait3A_181 = arith.constant 128 : i32
      %dma_wait3A_182 = arith.constant 0 : i32
      %dma_wait3A_183 = tpu.memref_slice %arg7[%dma_wait3A_181, %dma_wait3A_182] : memref<288x128xf32, #tpu.memory_space<vmem>> -> memref<96x128xf32, #tpu.memory_space<vmem>>
      %dma_wait3A_184 = arith.constant 0 : i32
      %dma_wait3A_185 = tpu.memref_slice %arg5[%multiple_of3A_150, %dma_wait3A_184] : memref<8192x128xf32, #tpu.memory_space<hbm>> -> memref<96x128xf32, #tpu.memory_space<hbm>>
      %dma_wait3A_186 = arith.constant 0 : i32
      %dma_wait3A_187 = tpu.memref_slice %arg5[%multiple_of3A_150, %dma_wait3A_186] : memref<8192x128xf32, #tpu.memory_space<hbm>> -> memref<96x128xf32, #tpu.memory_space<hbm>>
      %dma_wait3A_188 = arith.constant 128 : i32
      %dma_wait3A_189 = arith.constant 0 : i32
      %dma_wait3A_190 = tpu.memref_slice %arg7[%dma_wait3A_188, %dma_wait3A_189] : memref<288x128xf32, #tpu.memory_space<vmem>> -> memref<96x128xf32, #tpu.memory_space<vmem>>
      tpu.wait_dma2 semaphore(%arg11 : memref<!tpu.dma_semaphore, #tpu.memory_space<semaphore_mem>>) src(%dma_wait3A_190 : memref<96x128xf32, #tpu.memory_space<vmem>>) dst(%dma_wait3A_187 : memref<96x128xf32, #tpu.memory_space<hbm>>)
    } else {
    }
    %eq3A_93 = arith.constant 1 : i32
    %eq3A_94 = arith.cmpi eq, %arg0, %eq3A_93 : i32
    %convert_element_type3A_95 = arith.extui %eq3A_94 : i1 to i32
    %cond3A_96 = arith.constant 0 : i32
    %cond3A_97 = arith.constant 0 : i32
    %cond3A_98 = arith.cmpi ne, %convert_element_type3A_95, %cond3A_97 : i32
    scf.if %cond3A_98 {
      %add3A_99 = arith.constant 0 : i32
      %add3A_100 = arith.addi %multiple_of3A_88, %add3A_99 : i32
      %multiple_of3A_101 = tpu.assume_multiple %add3A_100, 8 : i32
      %dma_start3A_102 = arith.constant 0 : i32
      %dma_start3A_103 = arith.constant 0 : i32
      %dma_start3A_104 = tpu.memref_slice %arg7[%dma_start3A_102, %dma_start3A_103] : memref<288x128xf32, #tpu.memory_space<vmem>> -> memref<128x128xf32, #tpu.memory_space<vmem>>
      %dma_start3A_105 = tpu.memref_slice %arg6[%multiple_of3A_101] : memref<384xi32, #tpu.memory_space<vmem>> -> memref<128xi32, #tpu.memory_space<vmem>>
      %dma_start3A_106 = arith.constant 0 : i32
      %dma_start3A_107 = arith.constant 0 : i32
      %dma_start3A_108 = tpu.memref_slice %arg3[%dma_start3A_106, %dma_start3A_107] : memref<100000x128xf32, #tpu.memory_space<hbm>> -> memref<100000x128xf32, #tpu.memory_space<hbm>>
      tpu.enqueue_indirect_dma source(%dma_start3A_108 : memref<100000x128xf32, #tpu.memory_space<hbm>>) target(%dma_start3A_104 : memref<128x128xf32, #tpu.memory_space<vmem>>) offsets(%dma_start3A_105 : memref<128xi32, #tpu.memory_space<vmem>>) semaphore(%arg10 : memref<!tpu.dma_semaphore, #tpu.memory_space<semaphore_mem>>)
      %add3A_109 = arith.constant 256 : i32
      %add3A_110 = arith.addi %multiple_of3A_86, %add3A_109 : i32
      %multiple_of3A_111 = tpu.assume_multiple %add3A_110, 128 : i32
      "tpu.region"() ({
        %run_scoped3A = tpu.sem_alloc : memref<!tpu.dma_semaphore, #tpu.memory_space<semaphore_mem>>
        %dma_start3A_235 = arith.constant 256 : i32
        %dma_start3A_236 = tpu.memref_slice %arg6[%dma_start3A_235] : memref<384xi32, #tpu.memory_space<vmem>> -> memref<128xi32, #tpu.memory_space<vmem>>
        %dma_start3A_237 = tpu.memref_slice %arg2[%select_n3A, %multiple_of3A_111] : memref<4x2048xi32, #tpu.memory_space<hbm>> -> memref<1x128xi32, #tpu.memory_space<hbm>>
        %dma_start3A_238 = tpu.memref_squeeze %dma_start3A_237 : memref<1x128xi32, #tpu.memory_space<hbm>> -> memref<128xi32, #tpu.memory_space<hbm>>
        %dma_start3A_239 = arith.constant 256 : i32
        %dma_start3A_240 = tpu.memref_slice %arg6[%dma_start3A_239] : memref<384xi32, #tpu.memory_space<vmem>> -> memref<128xi32, #tpu.memory_space<vmem>>
        %dma_start3A_241 = tpu.memref_slice %arg2[%select_n3A, %multiple_of3A_111] : memref<4x2048xi32, #tpu.memory_space<hbm>> -> memref<1x128xi32, #tpu.memory_space<hbm>>
        %dma_start3A_242 = tpu.memref_squeeze %dma_start3A_241 : memref<1x128xi32, #tpu.memory_space<hbm>> -> memref<128xi32, #tpu.memory_space<hbm>>
        tpu.enqueue_dma source(%dma_start3A_242 : memref<128xi32, #tpu.memory_space<hbm>>) target(%dma_start3A_240 : memref<128xi32, #tpu.memory_space<vmem>>) target_semaphore(%run_scoped3A : memref<!tpu.dma_semaphore, #tpu.memory_space<semaphore_mem>>)
        %dma_wait3A_243 = arith.constant 256 : i32
        %dma_wait3A_244 = tpu.memref_slice %arg6[%dma_wait3A_243] : memref<384xi32, #tpu.memory_space<vmem>> -> memref<128xi32, #tpu.memory_space<vmem>>
        %dma_wait3A_245 = tpu.memref_slice %arg2[%select_n3A, %multiple_of3A_111] : memref<4x2048xi32, #tpu.memory_space<hbm>> -> memref<1x128xi32, #tpu.memory_space<hbm>>
        %dma_wait3A_246 = tpu.memref_squeeze %dma_wait3A_245 : memref<1x128xi32, #tpu.memory_space<hbm>> -> memref<128xi32, #tpu.memory_space<hbm>>
        %dma_wait3A_247 = arith.constant 256 : i32
        %dma_wait3A_248 = tpu.memref_slice %arg6[%dma_wait3A_247] : memref<384xi32, #tpu.memory_space<vmem>> -> memref<128xi32, #tpu.memory_space<vmem>>
        %dma_wait3A_249 = tpu.memref_slice %arg2[%select_n3A, %multiple_of3A_111] : memref<4x2048xi32, #tpu.memory_space<hbm>> -> memref<1x128xi32, #tpu.memory_space<hbm>>
        %dma_wait3A_250 = tpu.memref_squeeze %dma_wait3A_249 : memref<1x128xi32, #tpu.memory_space<hbm>> -> memref<128xi32, #tpu.memory_space<hbm>>
        tpu.wait_dma2 semaphore(%run_scoped3A : memref<!tpu.dma_semaphore, #tpu.memory_space<semaphore_mem>>) src(%dma_wait3A_250 : memref<128xi32, #tpu.memory_space<hbm>>) dst(%dma_wait3A_248 : memref<128xi32, #tpu.memory_space<vmem>>)
        tpu.yield
      }) : () -> ()
      %add3A_112 = arith.constant 128 : i32
      %add3A_113 = arith.addi %multiple_of3A_88, %add3A_112 : i32
      %multiple_of3A_114 = tpu.assume_multiple %add3A_113, 8 : i32
      %dma_start3A_115 = arith.constant 128 : i32
      %dma_start3A_116 = arith.constant 0 : i32
      %dma_start3A_117 = tpu.memref_slice %arg7[%dma_start3A_115, %dma_start3A_116] : memref<288x128xf32, #tpu.memory_space<vmem>> -> memref<128x128xf32, #tpu.memory_space<vmem>>
      %dma_start3A_118 = tpu.memref_slice %arg6[%multiple_of3A_114] : memref<384xi32, #tpu.memory_space<vmem>> -> memref<128xi32, #tpu.memory_space<vmem>>
      %dma_start3A_119 = arith.constant 0 : i32
      %dma_start3A_120 = arith.constant 0 : i32
      %dma_start3A_121 = tpu.memref_slice %arg3[%dma_start3A_119, %dma_start3A_120] : memref<100000x128xf32, #tpu.memory_space<hbm>> -> memref<100000x128xf32, #tpu.memory_space<hbm>>
      tpu.enqueue_indirect_dma source(%dma_start3A_121 : memref<100000x128xf32, #tpu.memory_space<hbm>>) target(%dma_start3A_117 : memref<128x128xf32, #tpu.memory_space<vmem>>) offsets(%dma_start3A_118 : memref<128xi32, #tpu.memory_space<vmem>>) semaphore(%arg11 : memref<!tpu.dma_semaphore, #tpu.memory_space<semaphore_mem>>)
      %add3A_122 = arith.constant 256 : i32
      %add3A_123 = arith.addi %multiple_of3A_88, %add3A_122 : i32
      %multiple_of3A_124 = tpu.assume_multiple %add3A_123, 8 : i32
      %dma_start3A_125 = arith.constant 256 : i32
      %dma_start3A_126 = arith.constant 0 : i32
      %dma_start3A_127 = tpu.memref_slice %arg7[%dma_start3A_125, %dma_start3A_126] : memref<288x128xf32, #tpu.memory_space<vmem>> -> memref<32x128xf32, #tpu.memory_space<vmem>>
      %dma_start3A_128 = tpu.memref_slice %arg6[%multiple_of3A_124] : memref<384xi32, #tpu.memory_space<vmem>> -> memref<32xi32, #tpu.memory_space<vmem>>
      %dma_start3A_129 = arith.constant 0 : i32
      %dma_start3A_130 = arith.constant 0 : i32
      %dma_start3A_131 = tpu.memref_slice %arg3[%dma_start3A_129, %dma_start3A_130] : memref<100000x128xf32, #tpu.memory_space<hbm>> -> memref<100000x128xf32, #tpu.memory_space<hbm>>
      tpu.enqueue_indirect_dma source(%dma_start3A_131 : memref<100000x128xf32, #tpu.memory_space<hbm>>) target(%dma_start3A_127 : memref<32x128xf32, #tpu.memory_space<vmem>>) offsets(%dma_start3A_128 : memref<32xi32, #tpu.memory_space<vmem>>) semaphore(%arg12 : memref<!tpu.dma_semaphore, #tpu.memory_space<semaphore_mem>>)
      %dma_wait3A = arith.constant 0 : i32
      %dma_wait3A_132 = arith.constant 0 : i32
      %dma_wait3A_133 = tpu.memref_slice %arg7[%dma_wait3A, %dma_wait3A_132] : memref<288x128xf32, #tpu.memory_space<vmem>> -> memref<128x128xf32, #tpu.memory_space<vmem>>
      %dma_wait3A_134 = tpu.memref_slice %arg6[%multiple_of3A_101] : memref<384xi32, #tpu.memory_space<vmem>> -> memref<128xi32, #tpu.memory_space<vmem>>
      %dma_wait3A_135 = arith.constant 0 : i32
      %dma_wait3A_136 = arith.constant 0 : i32
      %dma_wait3A_137 = tpu.memref_slice %arg3[%dma_wait3A_135, %dma_wait3A_136] : memref<100000x128xf32, #tpu.memory_space<hbm>> -> memref<100000x128xf32, #tpu.memory_space<hbm>>
      tpu.wait_indirect_dma semaphore(%arg10 : memref<!tpu.dma_semaphore, #tpu.memory_space<semaphore_mem>>) src(%dma_wait3A_137 : memref<100000x128xf32, #tpu.memory_space<hbm>>) dst(%dma_wait3A_133 : memref<128x128xf32, #tpu.memory_space<vmem>>)
      %add3A_138 = arith.constant 0 : i32
      %add3A_139 = arith.addi %multiple_of3A_40, %add3A_138 : i32
      %multiple_of3A_140 = tpu.assume_multiple %add3A_139, 8 : i32
      %dma_start3A_141 = arith.constant 0 : i32
      %dma_start3A_142 = arith.constant 0 : i32
      %dma_start3A_143 = tpu.memref_slice %arg7[%dma_start3A_141, %dma_start3A_142] : memref<288x128xf32, #tpu.memory_space<vmem>> -> memref<128x128xf32, #tpu.memory_space<vmem>>
      %dma_start3A_144 = arith.constant 0 : i32
      %dma_start3A_145 = tpu.memref_slice %arg5[%multiple_of3A_140, %dma_start3A_144] : memref<8192x128xf32, #tpu.memory_space<hbm>> -> memref<128x128xf32, #tpu.memory_space<hbm>>
      %dma_start3A_146 = arith.constant 0 : i32
      %dma_start3A_147 = tpu.memref_slice %arg5[%multiple_of3A_140, %dma_start3A_146] : memref<8192x128xf32, #tpu.memory_space<hbm>> -> memref<128x128xf32, #tpu.memory_space<hbm>>
      %dma_start3A_148 = arith.constant 0 : i32
      %dma_start3A_149 = arith.constant 0 : i32
      %dma_start3A_150 = tpu.memref_slice %arg7[%dma_start3A_148, %dma_start3A_149] : memref<288x128xf32, #tpu.memory_space<vmem>> -> memref<128x128xf32, #tpu.memory_space<vmem>>
      tpu.enqueue_dma source(%dma_start3A_150 : memref<128x128xf32, #tpu.memory_space<vmem>>) target(%dma_start3A_147 : memref<128x128xf32, #tpu.memory_space<hbm>>) target_semaphore(%arg10 : memref<!tpu.dma_semaphore, #tpu.memory_space<semaphore_mem>>)
      %dma_wait3A_151 = arith.constant 128 : i32
      %dma_wait3A_152 = arith.constant 0 : i32
      %dma_wait3A_153 = tpu.memref_slice %arg7[%dma_wait3A_151, %dma_wait3A_152] : memref<288x128xf32, #tpu.memory_space<vmem>> -> memref<128x128xf32, #tpu.memory_space<vmem>>
      %dma_wait3A_154 = tpu.memref_slice %arg6[%multiple_of3A_114] : memref<384xi32, #tpu.memory_space<vmem>> -> memref<128xi32, #tpu.memory_space<vmem>>
      %dma_wait3A_155 = arith.constant 0 : i32
      %dma_wait3A_156 = arith.constant 0 : i32
      %dma_wait3A_157 = tpu.memref_slice %arg3[%dma_wait3A_155, %dma_wait3A_156] : memref<100000x128xf32, #tpu.memory_space<hbm>> -> memref<100000x128xf32, #tpu.memory_space<hbm>>
      tpu.wait_indirect_dma semaphore(%arg11 : memref<!tpu.dma_semaphore, #tpu.memory_space<semaphore_mem>>) src(%dma_wait3A_157 : memref<100000x128xf32, #tpu.memory_space<hbm>>) dst(%dma_wait3A_153 : memref<128x128xf32, #tpu.memory_space<vmem>>)
      %add3A_158 = arith.constant 128 : i32
      %add3A_159 = arith.addi %multiple_of3A_40, %add3A_158 : i32
      %multiple_of3A_160 = tpu.assume_multiple %add3A_159, 8 : i32
      %dma_start3A_161 = arith.constant 128 : i32
      %dma_start3A_162 = arith.constant 0 : i32
      %dma_start3A_163 = tpu.memref_slice %arg7[%dma_start3A_161, %dma_start3A_162] : memref<288x128xf32, #tpu.memory_space<vmem>> -> memref<128x128xf32, #tpu.memory_space<vmem>>
      %dma_start3A_164 = arith.constant 0 : i32
      %dma_start3A_165 = tpu.memref_slice %arg5[%multiple_of3A_160, %dma_start3A_164] : memref<8192x128xf32, #tpu.memory_space<hbm>> -> memref<128x128xf32, #tpu.memory_space<hbm>>
      %dma_start3A_166 = arith.constant 0 : i32
      %dma_start3A_167 = tpu.memref_slice %arg5[%multiple_of3A_160, %dma_start3A_166] : memref<8192x128xf32, #tpu.memory_space<hbm>> -> memref<128x128xf32, #tpu.memory_space<hbm>>
      %dma_start3A_168 = arith.constant 128 : i32
      %dma_start3A_169 = arith.constant 0 : i32
      %dma_start3A_170 = tpu.memref_slice %arg7[%dma_start3A_168, %dma_start3A_169] : memref<288x128xf32, #tpu.memory_space<vmem>> -> memref<128x128xf32, #tpu.memory_space<vmem>>
      tpu.enqueue_dma source(%dma_start3A_170 : memref<128x128xf32, #tpu.memory_space<vmem>>) target(%dma_start3A_167 : memref<128x128xf32, #tpu.memory_space<hbm>>) target_semaphore(%arg11 : memref<!tpu.dma_semaphore, #tpu.memory_space<semaphore_mem>>)
      %dma_wait3A_171 = arith.constant 256 : i32
      %dma_wait3A_172 = arith.constant 0 : i32
      %dma_wait3A_173 = tpu.memref_slice %arg7[%dma_wait3A_171, %dma_wait3A_172] : memref<288x128xf32, #tpu.memory_space<vmem>> -> memref<32x128xf32, #tpu.memory_space<vmem>>
      %dma_wait3A_174 = tpu.memref_slice %arg6[%multiple_of3A_124] : memref<384xi32, #tpu.memory_space<vmem>> -> memref<32xi32, #tpu.memory_space<vmem>>
      %dma_wait3A_175 = arith.constant 0 : i32
      %dma_wait3A_176 = arith.constant 0 : i32
      %dma_wait3A_177 = tpu.memref_slice %arg3[%dma_wait3A_175, %dma_wait3A_176] : memref<100000x128xf32, #tpu.memory_space<hbm>> -> memref<100000x128xf32, #tpu.memory_space<hbm>>
      tpu.wait_indirect_dma semaphore(%arg12 : memref<!tpu.dma_semaphore, #tpu.memory_space<semaphore_mem>>) src(%dma_wait3A_177 : memref<100000x128xf32, #tpu.memory_space<hbm>>) dst(%dma_wait3A_173 : memref<32x128xf32, #tpu.memory_space<vmem>>)
      %add3A_178 = arith.constant 256 : i32
      %add3A_179 = arith.addi %multiple_of3A_40, %add3A_178 : i32
      %multiple_of3A_180 = tpu.assume_multiple %add3A_179, 8 : i32
      %dma_start3A_181 = arith.constant 256 : i32
      %dma_start3A_182 = arith.constant 0 : i32
      %dma_start3A_183 = tpu.memref_slice %arg7[%dma_start3A_181, %dma_start3A_182] : memref<288x128xf32, #tpu.memory_space<vmem>> -> memref<32x128xf32, #tpu.memory_space<vmem>>
      %dma_start3A_184 = arith.constant 0 : i32
      %dma_start3A_185 = tpu.memref_slice %arg5[%multiple_of3A_180, %dma_start3A_184] : memref<8192x128xf32, #tpu.memory_space<hbm>> -> memref<32x128xf32, #tpu.memory_space<hbm>>
      %dma_start3A_186 = arith.constant 0 : i32
      %dma_start3A_187 = tpu.memref_slice %arg5[%multiple_of3A_180, %dma_start3A_186] : memref<8192x128xf32, #tpu.memory_space<hbm>> -> memref<32x128xf32, #tpu.memory_space<hbm>>
      %dma_start3A_188 = arith.constant 256 : i32
      %dma_start3A_189 = arith.constant 0 : i32
      %dma_start3A_190 = tpu.memref_slice %arg7[%dma_start3A_188, %dma_start3A_189] : memref<288x128xf32, #tpu.memory_space<vmem>> -> memref<32x128xf32, #tpu.memory_space<vmem>>
      tpu.enqueue_dma source(%dma_start3A_190 : memref<32x128xf32, #tpu.memory_space<vmem>>) target(%dma_start3A_187 : memref<32x128xf32, #tpu.memory_space<hbm>>) target_semaphore(%arg12 : memref<!tpu.dma_semaphore, #tpu.memory_space<semaphore_mem>>)
      %dma_wait3A_191 = arith.constant 0 : i32
      %dma_wait3A_192 = arith.constant 0 : i32
      %dma_wait3A_193 = tpu.memref_slice %arg8[%dma_wait3A_191, %dma_wait3A_192] : memref<24x128xf32, #tpu.memory_space<vmem>> -> memref<20x128xf32, #tpu.memory_space<vmem>>
      %dma_wait3A_194 = arith.constant 0 : i32
      %dma_wait3A_195 = arith.constant 0 : i32
      %dma_wait3A_196 = tpu.memref_slice %arg4[%cond3A_96, %dma_wait3A_194, %dma_wait3A_195] : memref<1x20x128xf32, #tpu.memory_space<hbm>> -> memref<1x20x128xf32, #tpu.memory_space<hbm>>
      %dma_wait3A_197 = tpu.memref_squeeze %dma_wait3A_196 : memref<1x20x128xf32, #tpu.memory_space<hbm>> -> memref<20x128xf32, #tpu.memory_space<hbm>>
      %dma_wait3A_198 = arith.constant 0 : i32
      %dma_wait3A_199 = arith.constant 0 : i32
      %dma_wait3A_200 = tpu.memref_slice %arg8[%dma_wait3A_198, %dma_wait3A_199] : memref<24x128xf32, #tpu.memory_space<vmem>> -> memref<20x128xf32, #tpu.memory_space<vmem>>
      %dma_wait3A_201 = arith.constant 0 : i32
      %dma_wait3A_202 = arith.constant 0 : i32
      %dma_wait3A_203 = tpu.memref_slice %arg4[%cond3A_96, %dma_wait3A_201, %dma_wait3A_202] : memref<1x20x128xf32, #tpu.memory_space<hbm>> -> memref<1x20x128xf32, #tpu.memory_space<hbm>>
      %dma_wait3A_204 = tpu.memref_squeeze %dma_wait3A_203 : memref<1x20x128xf32, #tpu.memory_space<hbm>> -> memref<20x128xf32, #tpu.memory_space<hbm>>
      tpu.wait_dma2 semaphore(%arg9 : memref<!tpu.dma_semaphore, #tpu.memory_space<semaphore_mem>>) src(%dma_wait3A_204 : memref<20x128xf32, #tpu.memory_space<hbm>>) dst(%dma_wait3A_200 : memref<20x128xf32, #tpu.memory_space<vmem>>)
      %dma_wait3A_205 = arith.constant 0 : i32
      %dma_wait3A_206 = arith.constant 0 : i32
      %dma_wait3A_207 = tpu.memref_slice %arg7[%dma_wait3A_205, %dma_wait3A_206] : memref<288x128xf32, #tpu.memory_space<vmem>> -> memref<128x128xf32, #tpu.memory_space<vmem>>
      %dma_wait3A_208 = arith.constant 0 : i32
      %dma_wait3A_209 = tpu.memref_slice %arg5[%multiple_of3A_140, %dma_wait3A_208] : memref<8192x128xf32, #tpu.memory_space<hbm>> -> memref<128x128xf32, #tpu.memory_space<hbm>>
      %dma_wait3A_210 = arith.constant 0 : i32
      %dma_wait3A_211 = tpu.memref_slice %arg5[%multiple_of3A_140, %dma_wait3A_210] : memref<8192x128xf32, #tpu.memory_space<hbm>> -> memref<128x128xf32, #tpu.memory_space<hbm>>
      %dma_wait3A_212 = arith.constant 0 : i32
      %dma_wait3A_213 = arith.constant 0 : i32
      %dma_wait3A_214 = tpu.memref_slice %arg7[%dma_wait3A_212, %dma_wait3A_213] : memref<288x128xf32, #tpu.memory_space<vmem>> -> memref<128x128xf32, #tpu.memory_space<vmem>>
      tpu.wait_dma2 semaphore(%arg10 : memref<!tpu.dma_semaphore, #tpu.memory_space<semaphore_mem>>) src(%dma_wait3A_214 : memref<128x128xf32, #tpu.memory_space<vmem>>) dst(%dma_wait3A_211 : memref<128x128xf32, #tpu.memory_space<hbm>>)
      %dma_wait3A_215 = arith.constant 128 : i32
      %dma_wait3A_216 = arith.constant 0 : i32
      %dma_wait3A_217 = tpu.memref_slice %arg7[%dma_wait3A_215, %dma_wait3A_216] : memref<288x128xf32, #tpu.memory_space<vmem>> -> memref<128x128xf32, #tpu.memory_space<vmem>>
      %dma_wait3A_218 = arith.constant 0 : i32
      %dma_wait3A_219 = tpu.memref_slice %arg5[%multiple_of3A_160, %dma_wait3A_218] : memref<8192x128xf32, #tpu.memory_space<hbm>> -> memref<128x128xf32, #tpu.memory_space<hbm>>
      %dma_wait3A_220 = arith.constant 0 : i32
      %dma_wait3A_221 = tpu.memref_slice %arg5[%multiple_of3A_160, %dma_wait3A_220] : memref<8192x128xf32, #tpu.memory_space<hbm>> -> memref<128x128xf32, #tpu.memory_space<hbm>>
      %dma_wait3A_222 = arith.constant 128 : i32
      %dma_wait3A_223 = arith.constant 0 : i32
      %dma_wait3A_224 = tpu.memref_slice %arg7[%dma_wait3A_222, %dma_wait3A_223] : memref<288x128xf32, #tpu.memory_space<vmem>> -> memref<128x128xf32, #tpu.memory_space<vmem>>
      tpu.wait_dma2 semaphore(%arg11 : memref<!tpu.dma_semaphore, #tpu.memory_space<semaphore_mem>>) src(%dma_wait3A_224 : memref<128x128xf32, #tpu.memory_space<vmem>>) dst(%dma_wait3A_221 : memref<128x128xf32, #tpu.memory_space<hbm>>)
      %dma_wait3A_225 = arith.constant 256 : i32
      %dma_wait3A_226 = arith.constant 0 : i32
      %dma_wait3A_227 = tpu.memref_slice %arg7[%dma_wait3A_225, %dma_wait3A_226] : memref<288x128xf32, #tpu.memory_space<vmem>> -> memref<32x128xf32, #tpu.memory_space<vmem>>
      %dma_wait3A_228 = arith.constant 0 : i32
      %dma_wait3A_229 = tpu.memref_slice %arg5[%multiple_of3A_180, %dma_wait3A_228] : memref<8192x128xf32, #tpu.memory_space<hbm>> -> memref<32x128xf32, #tpu.memory_space<hbm>>
      %dma_wait3A_230 = arith.constant 0 : i32
      %dma_wait3A_231 = tpu.memref_slice %arg5[%multiple_of3A_180, %dma_wait3A_230] : memref<8192x128xf32, #tpu.memory_space<hbm>> -> memref<32x128xf32, #tpu.memory_space<hbm>>
      %dma_wait3A_232 = arith.constant 256 : i32
      %dma_wait3A_233 = arith.constant 0 : i32
      %dma_wait3A_234 = tpu.memref_slice %arg7[%dma_wait3A_232, %dma_wait3A_233] : memref<288x128xf32, #tpu.memory_space<vmem>> -> memref<32x128xf32, #tpu.memory_space<vmem>>
      tpu.wait_dma2 semaphore(%arg12 : memref<!tpu.dma_semaphore, #tpu.memory_space<semaphore_mem>>) src(%dma_wait3A_234 : memref<32x128xf32, #tpu.memory_space<vmem>>) dst(%dma_wait3A_231 : memref<32x128xf32, #tpu.memory_space<hbm>>)
    } else {
    }
    return
  }
}

</mosaic_0001>

<sc_bundles>
// kernel: kernel.3.cloned.1.call-start
scs
__scs_entry_jumppad:
0x0: {  	(pc) =	sbr.rel $0x88, $3  }
0x1: {  	(tag) =	ssettag $0x0;
	lr =	simm.s32 $0x1  }
0x2: {  	[smem:$0x3F9E] =	sst lr;
	_ =	strace $0xD0000000  }
0x3: {  	_ = 	snop  }
0x4: {  	_ = 	snop  }
0x5: {  	_ = 	snop  }
0x6: {  	_ = 	snop  }
0x7: {  	_ = 	snop  }
__scs_overlays_trampoline_lowered:
0x8: {  	[smem:$0x3FAD] =	sst s0  }
0x9: {  	[smem:$0x3FAE] =	sst s1  }
0xa: {  	[smem:$0x3FAF] =	sst s2  }
0xb: {  	[smem:$0x3FB0] =	sst s3  }
0xc: {  	[smem:$0x3FB1] =	sst s4  }
0xd: {  	[smem:$0x3FB2] =	sst s5  }
0xe: {  	[smem:$0x3FB3] =	sst s6  }
0xf: {  	[smem:$0x3FB4] =	sst s7  }
0x10: {  	[smem:$0x3FB5] =	sst s8  }
0x11: {  	[smem:$0x3FB6] =	sst s9;
	s0 =	simm.s32 @!p0 $0x0  }
0x12: {  	s1 =	sld [smem:$0x3F9C];
	s0 =	simm.s32 @p0 $0x1  }
0x13: {  	[smem:$0x3FB7] =	sst s0;
	s0 =	simm.s32 @!p1 $0x0  }
0x14: {  	s2 =	sld [smem:$0x3F9B];
	s0 =	simm.s32 @p1 $0x1  }
0x15: {  	[smem:$0x3FB8] =	sst s0;
	s0 =	simm.s32 @!p2 $0x0  }
0x16: {  	s3 =	sld [smem:$0x3FDB];
	s0 =	simm.s32 @p2 $0x1  }
0x17: {  	s4 =	simm.s32 $0x1BF5;
	[smem:$0x3FBA] =	sst s0  }
0x18: {  	s0 =	sld [smem:$0x3F9D];
	_ =	swait.ge [sflag:s4], $0x0  }
0x19: {  	s7 =	sld [smem:$0x3F9E]  }
0x1a: {  	s8 =	sadd.s32 $0xFFFFE003, lr  }
0x1b: {  	s9 =	sadd.s32 $0xFFFFFEF7, lr;
	s5 =	simm.s32 $0xFFFFFFFF;
	p2 =	slt.u32 s8, $0xFFFFF086  }
0x1c: {  	p1 =	slt.u32 s9, $0xF7A;
	s5 =	simm.s32 @!p2 $0x0  }
0x1d: {  	s5 =	simm.s32 @p1 $0x1;
	p0 =	seq.s32 s7, s2  }
0x1e: {  	s7 =	smul.u32 @!p0 $0xF7A, s2;
	p2 =	seq.s32 @!p0 s5, $0x0  }
0x1f: {  	s9 =	smul.u32 $0xF7A, s1;
	s8 =	simm.s32 @!p0 $0x1BF5;
	p2 =	por !p2, p0  }
0x20: {  	[sflag:s8] =	ssyncset.s32 @!p0 $0xFFFFF086;
	s6 =	sadd.s32 @!p0 s3, s7;
	s7 =	simm.s32 @!p0 $0x108  }
0x21: {  	s3 =	sadd.s32 s3, s9;
	s6 =	sadd.s32 @!p0 $0x88, s6;
	s7 =	simm.s32 @p2 $0x1082  }
0x22: {  	[simem:s7], [sflag:s8] =	dma.local @!p0 [hbm:s6], $0xF7A  }
0x23: {  	s9 =	sor.u32 $0xD0000000, s2;
	s6 =	simm.s32 $0x108;
	_ =	swait.ge @!p0 [sflag:s8], $0x0  }
0x24: {  	s3 =	sadd.s32 $0x88, s3;
	s6 =	simm.s32 @!p1 $0x1082;
	[sflag:s4] =	ssyncset.s32 $0xFFFFF086  }
0x25: {  	[simem:s6], [sflag:s4] =	dma.local [hbm:s3], $0xF7A  }
0x26: {  	[smem:$0x3F9E] =	sst s1;
	(tag) =	ssettag s2;
	_ =	strace s9  }
0x27: {  	s1 =	sld [smem:$0x3FAE]  }
0x28: {  	s2 =	sld [smem:$0x3FAF]  }
0x29: {  	s4 =	sld [smem:$0x3FB1]  }
0x2a: {  	p0 =	seq.s32 s5, $0x0;
	s5 =	sld [smem:$0x3FB2]  }
0x2b: {  	s6 =	sld [smem:$0x3FB3]  }
0x2c: {  	s7 =	sld [smem:$0x3FB4]  }
0x2d: {  	s3 =	simm.s32 $0x108;
	s8 =	sld [smem:$0x3FB5]  }
0x2e: {  	s3 =	simm.s32 @!p0 $0x1082;
	s9 =	sld [smem:$0x3FB6]  }
0x2f: {  	lr =	sadd.s32 s0, s3;
	s0 =	sld [smem:$0x3FAD]  }
0x30: {  	s3 =	sld [smem:$0x3FB0]  }
0x31: {  	[smem:$0x3FB9] =	sst s10  }
0x32: {  	s10 =	sld [smem:$0x3FB7];
	_ =	sdelay $0x3  }
0x33: {  	p0 =	seq.s32 s10, $0x1;
	s10 =	sld [smem:$0x3FB9];
	_ =	sdelay $0x3  }
0x34: {  	[smem:$0x3FB9] =	sst s10  }
0x35: {  	s10 =	sld [smem:$0x3FB8];
	_ =	sdelay $0x3  }
0x36: {  	p1 =	seq.s32 s10, $0x1;
	s10 =	sld [smem:$0x3FB9];
	_ =	sdelay $0x3  }
0x37: {  	[smem:$0x3FB9] =	sst s10  }
0x38: {  	s10 =	sld [smem:$0x3FBA]  }
0x39: {  	_ = 	snop;
	(pc) =	sbr.ind lr, $3  }
0x3a: {  	_ = 	snop  }
0x3b: {  	_ = 	snop  }
0x3c: {  	p2 =	seq.s32 s10, $0x1;
	s10 =	sld [smem:$0x3FB9]  }
0x3d: {  	_ =	shalt  }
0x3e: {  	_ =	shalt  }
0x3f: {  	_ =	shalt  }
0x40: {  	_ =	shalt  }
0x41: {  	_ =	shalt  }
0x42: {  	_ =	shalt  }
0x43: {  	_ =	shalt  }
0x44: {  	_ =	shalt  }
0x45: {  	_ =	shalt  }
0x46: {  	_ =	shalt  }
0x47: {  	_ =	shalt  }
0x48: {  	_ =	shalt  }
0x49: {  	_ =	shalt  }
0x4a: {  	_ =	shalt  }
0x4b: {  	_ =	shalt  }
0x4c: {  	_ =	shalt  }
0x4d: {  	_ =	shalt  }
0x4e: {  	_ =	shalt  }
0x4f: {  	_ =	shalt  }
0x50: {  	_ =	shalt  }
0x51: {  	_ =	shalt  }
0x52: {  	_ =	shalt  }
0x53: {  	_ =	shalt  }
0x54: {  	_ =	shalt  }
0x55: {  	_ =	shalt  }
0x56: {  	_ =	shalt  }
0x57: {  	_ =	shalt  }
0x58: {  	_ =	shalt  }
0x59: {  	_ =	shalt  }
0x5a: {  	_ =	shalt  }
0x5b: {  	_ =	shalt  }
0x5c: {  	_ =	shalt  }
0x5d: {  	_ =	shalt  }
0x5e: {  	_ =	shalt  }
0x5f: {  	_ =	shalt  }
0x60: {  	_ =	shalt  }
0x61: {  	_ =	shalt  }
0x62: {  	_ =	shalt  }
0x63: {  	_ =	shalt  }
0x64: {  	_ =	shalt  }
0x65: {  	_ =	shalt  }
0x66: {  	_ =	shalt  }
0x67: {  	_ =	shalt  }
0x68: {  	_ =	shalt  }
0x69: {  	_ =	shalt  }
0x6a: {  	_ =	shalt  }
0x6b: {  	_ =	shalt  }
0x6c: {  	_ =	shalt  }
0x6d: {  	_ =	shalt  }
0x6e: {  	_ =	shalt  }
0x6f: {  	_ =	shalt  }
0x70: {  	_ =	shalt  }
0x71: {  	_ =	shalt  }
0x72: {  	_ =	shalt  }
0x73: {  	_ =	shalt  }
0x74: {  	_ =	shalt  }
0x75: {  	_ =	shalt  }
0x76: {  	_ =	shalt  }
0x77: {  	_ =	shalt  }
0x78: {  	_ =	shalt  }
0x79: {  	_ =	shalt  }
0x7a: {  	_ =	shalt  }
0x7b: {  	_ =	shalt  }
0x7c: {  	_ =	shalt  }
0x7d: {  	_ =	shalt  }
0x7e: {  	_ =	shalt  }
0x7f: {  	_ =	shalt  }
0x80: {  	_ =	shalt  }
0x81: {  	_ =	shalt  }
0x82: {  	_ =	shalt  }
0x83: {  	_ =	shalt  }
0x84: {  	_ =	shalt  }
0x85: {  	_ =	shalt  }
0x86: {  	_ =	shalt  }
0x87: {  	_ =	shalt  }
.Lfunc_end0:
.L_simem_size_0:
called_computation_lowered:
.L_overlay_start_0:
0x88: {  	s2 =	sld [smem:$0x3FD9]  }
0x89: {  	s3 =	sld [smem:$0x3FFE];
	_ =	sdelay $0x1  }
0x8a: {  	s1 =	srdreg.scid  }
0x8b: {  	s0 =	sand.u32 $0x1, s1  }
0x8c: {  	s17 =	sshll.u32 s0, $0xA;
	s2 =	sadd.s32 s3, s2  }
0x8d: {  	s2 =	sadd.s32 s2, s17  }
0x8e: {  	[smem:$0x3FC5] =	sst s2  }
0x8f: {  	_ = 	snop  }
0x90: {  	s2 =	sld [smem:$0x3FC9]  }
0x91: {  	s18 =	sld [smem:$0x3FC8]  }
0x92: {  	s4 =	sld [smem:$0x3FD0];
	(tm) =	ssettm $0x1  }
0x93: {  	s5 =	sld [smem:$0x3FFB];
	_ =	sdelay $0x3  }
0x94: {  	_ =	strace s5  }
0x95: {  	s5 =	sld [smem:$0x3FFC];
	_ =	sdelay $0x3  }
0x96: {  	_ =	strace s5  }
0x97: {  	s5 =	sld [smem:$0x3FFD];
	_ =	sdelay $0x3  }
0x98: {  	_ =	strace s5  }
0x99: {  	_ =	strace $0x8FFFFFFF  }
0x9a: {  	s19 =	sld [smem:$0x3FDB];
	_ =	sdelay $0x1  }
0x9b: {  	s6 =	simm.s32 $_scs_section_size  }
0x9c: {  	s7 =	simm.s32 $_size__tile_overlayer_lowered;
	s8 =	simm.s32 $_tile_overlayer_lowered  }
0x9d: {  	s22 =	simm.s32 $0x1BFF;
	s21 =	sshll.u32 s8, $0x1;
	s5 =	sadd.s32 s6, s19  }
0x9e: {  	s9 =	simm.s32 $0x0;
	s20 =	sshll.u32 s7, $0x1;
	s7 =	sadd.s32 s21, s5  }
0x9f: {  	[timem:s9], [sflag:s22] =	dma.local [hbm:s7], s20  }
0xa0: {  	_ =	swait.ge [sflag:s22], s20  }
0xa1: {  	s6 =	ssub.s32 $0x0, s20;
	[sflag:s22] =	ssyncset.done $0x0  }
0xa2: {  	[sflag:s22] =	ssyncadd.s32 s6;
	_ =	sdelay $0x1  }
0xa3: {  	s23 =	simm.s32 $0x1B8B  }
0xa4: {  	_ =	swait.ge [sflag:s23], $0x1  }
0xa5: {  	[sflag:s23] =	ssyncset.done $0x0  }
0xa6: {  	s25 =	simm.s32 $0x1B8E;
	s24 =	sld [smem:$0x3FFE];
	[sflag:s23] =	ssyncadd.s32 $0xFFFFFFFF  }
0xa7: {  	s26 =	simm.s32 $execute0_lowered;
	[smem:$0x3FD2] =	sst s25  }
0xa8: {  	s7 =	sshll.u32 s26, $0x1;
	_ =	strace $0x80000046;
	[dreg:$0x1] =	wrdreg $0xFFFFFFFF  }
0xa9: {  	s28 =	simm.s32 $_size_execute0_lowered;
	s5 =	sadd.s32 s5, s7;
	[dreg:$0x0] =	wrdreg $0x0  }
0xaa: {  	s7 =	sshll.u32 s28, $0x1;
	[dreg:$0x2] =	wrdreg s5  }
0xab: {  	[dreg:$0x3] =	wrdreg s7  }
0xac: {  	[dreg:$0x4] =	wrdreg $0xC0  }
0xad: {  	_ =	task [dreg:s9], $0x5FFFF  }
0xae: {  	[dreg:$0x1] =	wrdreg $0xFFFFFFFF  }
0xaf: {  	[dreg:$0x0] =	wrdreg $0x60  }
0xb0: {  	[dreg:$0x2] =	wrdreg s2  }
0xb1: {  	[dreg:$0x3] =	wrdreg s18  }
0xb2: {  	[dreg:$0x4] =	wrdreg s24  }
0xb3: {  	[dreg:$0x5] =	wrdreg s4  }
0xb4: {  	[dreg:$0x6] =	wrdreg $0x9  }
0xb5: {  	_ =	task.clear_ibuf [dreg:s9], $0x7FFFF;
	_ =	strace $0x90000046  }
0xb6: {  	s29 =	simm.s32 $0x9;
	_ =	strace $0x80000048  }
0xb7: {  	_ =	swait.ge [sflag:s29], $0x1  }
0xb8: {  	[sflag:s29] =	ssyncadd.s32 $0xFFFFFFFF  }
0xb9: {  	_ =	strace $0x90000048  }
0xba: {  	_ =	sfence  }
0xbb: {  	s30 =	sld [smem:$0x0];
	_ =	sdelay $0x2  }
0xbc: {  	s31 =	sshll.u32 s1, $0xD;
	s1 =	sshrl.u32 s1, $0x2  }
0xbd: {  	s3 =	sand.u32 $0x4000, s31;
	s1 =	sadd.s32 s1, s30  }
0xbe: {  	s0 =	sor.u32 s3, s0;
	s1 =	sshll.u32 s1, $0x11  }
0xbf: {  	s0 =	sor.u32 s1, s0  }
0xc0: {  	s0 =	sadd.s32 $0x8F2B, s0  }
0xc1: {  	[sflag:s0] =	ssyncadd.remote.s32 $0x1  }
0xc2: {  	_ =	sfence.sel $0xFFFF  }
0xc3: {  	[dreg:$0x0] =	wrdreg $0xFFFFFFFF;
	(pc) =	sbr.abs _section_cstart, $3  }
0xc4: {  	[dreg:$0x1] =	wrdreg $0xFFFFFFFF  }
0xc5: {  	_ =	task.clear_ibuf [dreg:s9], $0x2FFFF;
	_ =	strace $0x9FFFFFFF  }
0xc6: {  	(tm) =	ssettm $0x7FFFFFFF  }
0xc7: {  	_ =	shalt  }
tec
execute0_lowered:
.L_overlay_start_1:
0x0: {  	(tag) =	ssettag $0x1  }
0x1: {  	s7 =	rddreg [dreg:$0x0]  }
0x2: {  	s1 =	rddreg [dreg:$0x1]  }
0x3: {  	s4 =	rddreg [dreg:$0x2]  }
0x4: {  	s0 =	stileid.u32;
	s9 =	rddreg [dreg:$0x3]  }
0x5: {  	s3 =	srdreg.scid;
	s2 =	rddreg [dreg:$0x4];
	s16 =	simm.s32 $0x200  }
0x6: {  	s17 =	simm.s32 $0x5;
	s18 =	simm.s32 $0x180;
	s19 =	simm.s32 $0x100  }
0x7: {  	s21 =	simm.s32 $0x4180;
	s22 =	simm.s32 $0x2;
	s23 =	simm.s32 $0x3  }
0x8: {  	s28 =	simm.s32 $0x4;
	s13 =	sand.u32 $0x3, s0;
	s14 =	sand.u32 $0x1, s3  }
0x9: {  	s3 =	simm.s32 $0x0;
	s24 =	sshrl.u32 s0, $0x2;
	s5 =	smul.u32 $0x120, s13  }
0xa: {  	s4 =	sadd.s32 $0x400, s4;
	s6 =	smul.u32 $0xE0, s13;
	p0 =	seq.s32 s14, $0x0  }
0xb: {  	[smem:$0x7FF] =	sst s3;
	s10 =	ssub.s32 $0x2, s14;
	s11 =	sshll.u32 s24, $0x7  }
0xc: {  	s29 =	sshll.u32 s24, $0xF;
	s20 =	sor.u32 s14, s13;
	s24 =	simm.s32 $0x1  }
0xd: {  	_ =	strace $0x80000047;
	s12 =	sshrl.u32 s10, $0x1;
	s8 =	sadd.s32 $0x380, s5  }
0xe: {  	p1 =	sne.s32 s20, $0x0;
	s15 =	ssub.s32 s10, s12;
	s8 =	smov.u32 @p0 s6  }
0xf: {  	s20 =	simm.s32 $0x60;
	s13 =	smax.u32 s15, $0x1;
	s25 =	sshll.u32 s8, $0x2  }
0x10: {  	p0 =	sne.s32 s14, $0x0;
	s14 =	simm.s32 $0x9180;
	s5 =	sand.u32 $0x1E00, s25  }
0x11: {  	s15 =	simm.s32 $0x80;
	s25 =	simm.s32 $0x20;
	s11 =	sor.u32 s11, s5  }
.Ltmp0:
0x12: {  	s5 =	sand.u32 $0x60, s8;
	s8 =	sshll.u32 s8, $0x4;
	(pc) =	sbr.rel .LBB2_1-.Ltmp0, $4  }
0x13: {  	s26 =	sshrl.u32 s11, $0x3;
	s11 =	sadd.s32 $0x400, s11;
	s31 =	sor.u32 s8, s29  }
0x14: {  	s8 =	sor.u32 $0x80, s5;
	s10 =	sor.u32 $0x100, s5;
	s6 =	sadd.s32 s7, s26  }
0x15: {  	s30 =	sshrl.u32 s11, $0x3;
	s9 =	sadd.s32 s9, s31;
	s26 =	simm.s32 $0x8180  }
0x16: {  	s7 =	sadd.s32 s7, s30;
	s11 =	sadd.s32 $0x800, s9;
	s12 =	sadd.s32 $0x1000, s9  }
.LBB2_6:
0x17: {  	[tilespmem:s21], [sflag:$0x3] =	stream.indirect.gather [hbm4b:s1+s15], $0x80, s8, s15, $0xb8;
	[tilespmem:$0x9D80] =	vst v63  }
0x18: {  	_ = 	snop  }
0x19: {  	[tilespmem:s26], [sflag:$0x4] =	stream.indirect.gather [hbm4b:s1+s25], $0x80, s10, s25, $0xb8;
	[tilespmem:$0x9D80] =	vst v63  }
0x1a: {  	_ =	swait.ge [sflag:s22], $0x4000  }
0x1b: {  	[sflag:s22] =	ssyncset.done $0x0  }
0x1c: {  	[sflag:s22] =	ssyncadd.s32 $0xFFFFC000  }
0x1d: {  	[hbm4b:s9+s3] =	stream.linear.scatter [tilespmem:s18], [sflag:$0x2], $0x4000, $0x38;
	[tilespmem:$0x9D80] =	vst v63  }
0x1e: {  	_ =	swait.ge [sflag:s23], $0x4000  }
0x1f: {  	[sflag:s23] =	ssyncset.done $0x0  }
0x20: {  	[sflag:s23] =	ssyncadd.s32 $0xFFFFC000  }
0x21: {  	[hbm4b:s11+s3] =	stream.linear.scatter [tilespmem:s21], [sflag:$0x3], $0x4000, $0x38;
	[tilespmem:$0x9D80] =	vst v63  }
0x22: {  	_ =	swait.ge [sflag:s28], $0x1000  }
0x23: {  	[sflag:s28] =	ssyncset.done $0x0  }
0x24: {  	[sflag:s28] =	ssyncadd.s32 $0xFFFFF000  }
0x25: {  	[hbm4b:s12+s3] =	stream.linear.scatter [tilespmem:s26], [sflag:$0x4], $0x1000, $0x38;
	[tilespmem:$0x9D80] =	vst v63  }
0x26: {  	_ =	swait.ge [sflag:s24], $0xA00  }
0x27: {  	[sflag:s24] =	ssyncset.done $0x0  }
0x28: {  	[sflag:s24] =	ssyncadd.s32 $0xFFFFF600  }
0x29: {  	_ =	swait.ge [sflag:s22], $0x4000  }
0x2a: {  	[sflag:s22] =	ssyncset.done $0x0  }
0x2b: {  	[sflag:s22] =	ssyncadd.s32 $0xFFFFC000  }
0x2c: {  	_ =	swait.ge [sflag:s23], $0x4000  }
0x2d: {  	[sflag:s23] =	ssyncset.done $0x0  }
0x2e: {  	[sflag:s23] =	ssyncadd.s32 $0xFFFFC000  }
0x2f: {  	_ =	swait.ge [sflag:s28], $0x1000  }
0x30: {  	[sflag:s28] =	ssyncset.done $0x0  }
0x31: {  	[sflag:s28] =	ssyncadd.s32 $0xFFFFF000  }
.LBB2_7:
0x32: {  	s13 =	sadd.s32 $0xFFFFFFFF, s13  }
0x33: {  	p2 =	sne.s32 s13, $0x0  }
.Ltmp1:
0x34: {  	_ = 	snop;
	(pc) =	sbr.rel @!p2 .LBB2_8-.Ltmp1, $1  }
0x35: {  	_ =	sdelay $0x3  }
.LBB2_1:
0x36: {  	[tilespmem:s14], [sflag:$0x1] =	stream.linear.gather [hbm4b:s4+s3], $0xA00, $0x38;
	[tilespmem:$0x9D80] =	vst v63  }
0x37: {  	_ = 	snop  }
0x38: {  	[tilespmem:s3], [sflag:$0x5] =	stream.strided.gather [hbm4b:s6+s15], $0x100, s16, s15, $0x38;
	[tilespmem:$0x9D80] =	vst v63  }
0x39: {  	_ =	swait.ge [sflag:s17], $0x100  }
0x3a: {  	[sflag:s17] =	ssyncset.done $0x0  }
0x3b: {  	[sflag:s17] =	ssyncadd.s32 $0xFFFFFF00  }
0x3c: {  	[tilespmem:s18], [sflag:$0x2] =	stream.indirect.gather [hbm4b:s1+s15], $0x80, s5, s15, $0xb8;
	[tilespmem:$0x9D80] =	vst v63  }
.Ltmp2:
0x3d: {  	_ = 	snop;
	(pc) =	sbr.rel @p0 .LBB2_6-.Ltmp2, $4  }
0x3e: {  	[tilespmem:s19], [sflag:$0x5] =	stream.linear.gather [hbm4b:s7+s3], $0x80, $0x38;
	[tilespmem:$0x9D80] =	vst v63  }
0x3f: {  	_ =	swait.ge [sflag:s17], $0x80  }
0x40: {  	[sflag:s17] =	ssyncset.done $0x0  }
0x41: {  	[sflag:s17] =	ssyncadd.s32 $0xFFFFFF80  }
0x42: {  	[tilespmem:s21], [sflag:$0x3] =	stream.indirect.gather [hbm4b:s1+s20], $0x80, s8, s20, $0xb8;
	[tilespmem:$0x9D80] =	vst v63  }
0x43: {  	_ =	swait.ge [sflag:s22], $0x4000  }
0x44: {  	[sflag:s22] =	ssyncset.done $0x0  }
0x45: {  	[sflag:s22] =	ssyncadd.s32 $0xFFFFC000  }
0x46: {  	[hbm4b:s9+s3] =	stream.linear.scatter [tilespmem:s18], [sflag:$0x2], $0x4000, $0x38;
	[tilespmem:$0x9D80] =	vst v63  }
.Ltmp3:
0x47: {  	_ = 	snop;
	(pc) =	sbr.rel @!p1 .LBB2_3-.Ltmp3, $4  }
0x48: {  	_ =	swait.ge [sflag:s23], $0x3000  }
0x49: {  	[sflag:s23] =	ssyncset.done $0x0  }
0x4a: {  	[sflag:s23] =	ssyncadd.s32 $0xFFFFD000  }
0x4b: {  	[hbm4b:s11+s3] =	stream.linear.scatter [tilespmem:s21], [sflag:$0x3], $0x3000, $0x38;
	[tilespmem:$0x9D80] =	vst v63  }
0x4c: {  	_ =	swait.ge [sflag:s22], $0x4000  }
.Ltmp4:
0x4d: {  	[sflag:s22] =	ssyncset.done $0x0;
	(pc) =	sbr.rel .LBB2_5-.Ltmp4, $4  }
0x4e: {  	[sflag:s22] =	ssyncadd.s32 $0xFFFFC000  }
0x4f: {  	_ =	swait.ge [sflag:s24], $0xA00  }
0x50: {  	[sflag:s24] =	ssyncset.done $0x0  }
0x51: {  	[sflag:s24] =	ssyncadd.s32 $0xFFFFF600  }
.LBB2_3:
0x52: {  	v0 =	vld [tilespmem:$0xB80]  }
0x53: {  	v1 =	vld [tilespmem:$0xB90]  }
0x54: {  	v2 =	vld [tilespmem:$0xBA0]  }
0x55: {  	v3 =	vld [tilespmem:$0xBB0]  }
0x56: {  	v4 =	vld [tilespmem:$0xBC0]  }
0x57: {  	v37 =	vld [tilespmem:$0xBD0];
	[tilespmem:$0x9B80] =	vst v0  }
0x58: {  	v38 =	vld [tilespmem:$0xBE0];
	[tilespmem:$0x9B90] =	vst v1  }
0x59: {  	v39 =	vld [tilespmem:$0xBF0];
	[tilespmem:$0x9BA0] =	vst v2  }
0x5a: {  	v40 =	vld [tilespmem:$0xC00];
	[tilespmem:$0x9BB0] =	vst v3  }
0x5b: {  	v41 =	vld [tilespmem:$0xC10];
	[tilespmem:$0x9BC0] =	vst v4  }
0x5c: {  	v42 =	vld [tilespmem:$0xC20];
	[tilespmem:$0x9BD0] =	vst v37  }
0x5d: {  	v43 =	vld [tilespmem:$0xC30];
	[tilespmem:$0x9BE0] =	vst v38  }
0x5e: {  	v44 =	vld [tilespmem:$0xC40];
	[tilespmem:$0x9BF0] =	vst v39  }
0x5f: {  	v45 =	vld [tilespmem:$0xC50];
	[tilespmem:$0x9C00] =	vst v40  }
0x60: {  	v46 =	vld [tilespmem:$0xC60];
	[tilespmem:$0x9C10] =	vst v41  }
0x61: {  	v47 =	vld [tilespmem:$0xC70];
	[tilespmem:$0x9C20] =	vst v42  }
0x62: {  	v48 =	vld [tilespmem:$0xC80];
	[tilespmem:$0x9C30] =	vst v43  }
0x63: {  	v49 =	vld [tilespmem:$0xC90];
	[tilespmem:$0x9C40] =	vst v44  }
0x64: {  	v50 =	vld [tilespmem:$0xCA0];
	[tilespmem:$0x9C50] =	vst v45  }
0x65: {  	v51 =	vld [tilespmem:$0xCB0];
	[tilespmem:$0x9C60] =	vst v46  }
0x66: {  	v52 =	vld [tilespmem:$0xCC0];
	[tilespmem:$0x9C70] =	vst v47  }
0x67: {  	v53 =	vld [tilespmem:$0xCD0];
	[tilespmem:$0x9C80] =	vst v48  }
0x68: {  	v54 =	vld [tilespmem:$0xCE0];
	[tilespmem:$0x9C90] =	vst v49  }
0x69: {  	v55 =	vld [tilespmem:$0xCF0];
	[tilespmem:$0x9CA0] =	vst v50  }
0x6a: {  	v56 =	vld [tilespmem:$0xD00];
	[tilespmem:$0x9CB0] =	vst v51  }
0x6b: {  	v57 =	vld [tilespmem:$0xD10];
	[tilespmem:$0x9CC0] =	vst v52  }
0x6c: {  	v58 =	vld [tilespmem:$0xD20];
	[tilespmem:$0x9CD0] =	vst v53  }
0x6d: {  	v59 =	vld [tilespmem:$0xD30];
	[tilespmem:$0x9CE0] =	vst v54  }
0x6e: {  	v60 =	vld [tilespmem:$0xD40];
	[tilespmem:$0x9CF0] =	vst v55  }
0x6f: {  	v61 =	vld [tilespmem:$0xD50];
	[tilespmem:$0x9D00] =	vst v56  }
0x70: {  	v62 =	vld [tilespmem:$0xD60];
	[tilespmem:$0x9D10] =	vst v57  }
0x71: {  	v63 =	vld [tilespmem:$0xD70];
	[tilespmem:$0x9D20] =	vst v58  }
0x72: {  	[tilespmem:$0x9D30] =	vst v59  }
0x73: {  	[tilespmem:$0x9D40] =	vst v60  }
0x74: {  	[tilespmem:$0x9D50] =	vst v61  }
0x75: {  	[tilespmem:$0x9D60] =	vst v62  }
0x76: {  	[tilespmem:$0x9D70] =	vst v63  }
0x77: {  	_ =	swait.ge [sflag:s22], $0x4000  }
0x78: {  	[sflag:s22] =	ssyncset.done $0x0  }
0x79: {  	[sflag:s22] =	ssyncadd.s32 $0xFFFFC000  }
0x7a: {  	_ =	swait.ge [sflag:s24], $0xA00  }
0x7b: {  	[sflag:s24] =	ssyncset.done $0x0  }
0x7c: {  	[sflag:s24] =	ssyncadd.s32 $0xFFFFF600  }
0x7d: {  	[hbm4b:s9+s3] =	stream.linear.scatter [tilespmem:s14], [sflag:$0x1], $0xC00, $0x38;
	[tilespmem:$0x9D80] =	vst v63  }
0x7e: {  	_ =	swait.ge [sflag:s24], $0xC00  }
0x7f: {  	[sflag:s24] =	ssyncset.done $0x0  }
0x80: {  	[sflag:s24] =	ssyncadd.s32 $0xFFFFF400  }
.LBB2_5:
.Ltmp5:
0x81: {  	(pc) =	sbr.rel .LBB2_7-.Ltmp5, $4  }
0x82: {  	_ = 	snop  }
0x83: {  	_ =	swait.ge [sflag:s23], $0x3000  }
0x84: {  	[sflag:s23] =	ssyncset.done $0x0  }
0x85: {  	[sflag:s23] =	ssyncadd.s32 $0xFFFFD000  }
.LBB2_8:
0x86: {  	_ =	sfence.sel $0x180000  }
0x87: {  	[bflag:$0x0] =	sbarrier.arrive $0xFFFF  }
0x88: {  	p0 =	sne.s32 s0, $0x0;
	_ =	strace $0x90000047  }
0x89: {  	s0 =	sadd.s32 @!p0 $0x100000, s2;
	[bflag:$0x2] =	sbarrier.arrive $0xFFFF  }
0x8a: {  	[sflag:s0] =	ssyncadd.tile.s32 @!p0 $0x1;
	_ =	shalt  }
.Lfunc_end2:
_tile_overlayer_lowered:
.L_overlay_start_2:
0x8b: {  	(tag) =	ssettag $0x2  }
0x8c: {  	s0 =	rddreg [dreg:$0x0];
	s2 =	stileid.u32  }
0x8d: {  	s1 =	rddreg [dreg:$0x1];
	p0 =	sne.s32 s2, $0x0  }
0x8e: {  	s3 =	rddreg [dreg:$0x2];
	[bflag:$0x3] =	sbarrier.arrive $0xFFFF;
	s2 =	simm.s32 @!p0 $0x1C05  }
0x8f: {  	[timem:s3], [sflag:s2] =	dma.local @!p0 [hbm:s0], s1  }
0x90: {  	s0 =	simm.s32 @!p0 $0x5  }
0x91: {  	_ =	swait.ge @!p0 [sflag:s0], s1  }
0x92: {  	s1 =	ssub.s32 @!p0 $0x0, s1;
	[sflag:s0] =	ssyncset.done @!p0 $0x0  }
0x93: {  	[sflag:s0] =	ssyncadd.s32 @!p0 s1  }
0x94: {  	[bflag:$0x3] =	sbarrier.arrive $0xFFFF  }
0x95: {  	_ =	shalt  }

</sc_bundles>
